<compile_context>
chip_gen: v7x
topology: tpu7x:2x2x1
jax: 0.10.2.dev20260603
libtpu: 0.0.44.dev20260713+nightly
codegen_flags: <defaults>
</compile_context>

<pallas_src>
import functools

import jax
import jax.numpy as jnp
from jax import lax
from jax.experimental import pallas as pl
from jax.experimental.pallas import tpu as pltpu
from jax.experimental.pallas import tpu_sc as plsc

N = 10000
E = 320000
D = 128
EPS = 1e-5

NC = 2
NS = 16
NW = NC * NS
L = 16
EPW = E // NW
CH = 80
NCHUNK = EPW // CH
NP = 10240
STRIPE = NP // NS
TRASH = N

_mesh = plsc.VectorSubcoreMesh(core_axis_name="c", subcore_axis_name="s")


@functools.partial(
    pl.kernel,
    out_type=jax.ShapeDtypeStruct((NC, NP), jnp.float32),
    mesh=_mesh,
    scratch_types=[
        pltpu.VMEM((CH,), jnp.int32),
        pltpu.VMEM((CH,), jnp.int32),
        pltpu.VMEM((CH,), jnp.int32),
        pltpu.VMEM((CH,), jnp.float32),
        pltpu.VMEM_SHARED((NP,), jnp.float32),
    ],
)
def _deg_sc(src_hbm, dst_hbm, zero_hbm, deg_out, src_v, dst_v, dstp_v,
            ones_v, deg_sh):
    c = lax.axis_index("c")
    s = lax.axis_index("s")
    wid = s * NC + c

    def fill16(i, _):
        ones_v[pl.ds(i * L, L)] = jnp.full((L,), 1.0, jnp.float32)
        return 0

    lax.fori_loop(0, CH // L, fill16, 0)
    pltpu.sync_copy(zero_hbm.at[pl.ds(s * STRIPE, STRIPE)],
                    deg_sh.at[pl.ds(s * STRIPE, STRIPE)])
    plsc.subcore_barrier()

    def step(k, _):
        base = wid * EPW + k * CH
        pltpu.sync_copy(src_hbm.at[pl.ds(base, CH)], src_v)
        pltpu.sync_copy(dst_hbm.at[pl.ds(base, CH)], dst_v)
        for j in range(CH // L):
            sv = src_v[pl.ds(j * L, L)]
            dv = dst_v[pl.ds(j * L, L)]
            dstp_v[pl.ds(j * L, L)] = jnp.where(
                sv == dv, jnp.full((L,), TRASH, jnp.int32), dv)
        pltpu.sync_copy(ones_v, deg_sh.at[dstp_v], add=True)
        return 0

    lax.fori_loop(0, NCHUNK, step, 0)
    plsc.subcore_barrier()
    pltpu.sync_copy(deg_sh.at[pl.ds(s * STRIPE, STRIPE)],
                    deg_out.at[c, pl.ds(s * STRIPE, STRIPE)])


def _tc1_body(x_ref, w_ref, d0_ref, d1_ref, hs_ref, dinv_ref):
    deg = d0_ref[...] + d1_ref[...] + 1.0
    dinv = lax.rsqrt(deg)
    h = lax.dot_general(x_ref[...], w_ref[...],
                        dimension_numbers=(((1,), (1,)), ((), ())),
                        preferred_element_type=jnp.float32)
    hs_ref[...] = h * dinv
    dinv_ref[...] = dinv


def _tc1(x, w, d0, d1):
    return pl.pallas_call(
        _tc1_body,
        out_shape=(jax.ShapeDtypeStruct((N, D), jnp.float32),
                   jax.ShapeDtypeStruct((N, 1), jnp.float32)),
    )(x, w, d0, d1)


@functools.partial(
    pl.kernel,
    out_type=jax.ShapeDtypeStruct((NC, NP, D), jnp.float32),
    mesh=_mesh,
    scratch_types=[
        pltpu.VMEM((CH,), jnp.int32),
        pltpu.VMEM((CH,), jnp.int32),
        pltpu.VMEM((CH,), jnp.int32),
        pltpu.VMEM((CH, D), jnp.float32),
        pltpu.VMEM_SHARED((NP, D), jnp.float32),
    ],
)
def _agg_sc(src_hbm, dst_hbm, hs_hbm, zero_hbm, agg_out, src_v, dst_v,
            dstp_v, rows_v, acc_sh):
    c = lax.axis_index("c")
    s = lax.axis_index("s")
    wid = s * NC + c

    pltpu.sync_copy(zero_hbm.at[pl.ds(s * STRIPE, STRIPE)],
                    acc_sh.at[pl.ds(s * STRIPE, STRIPE)])
    plsc.subcore_barrier()

    def step(k, _):
        base = wid * EPW + k * CH
        pltpu.sync_copy(src_hbm.at[pl.ds(base, CH)], src_v)
        pltpu.sync_copy(dst_hbm.at[pl.ds(base, CH)], dst_v)
        for j in range(CH // L):
            sv = src_v[pl.ds(j * L, L)]
            dv = dst_v[pl.ds(j * L, L)]
            dstp_v[pl.ds(j * L, L)] = jnp.where(
                sv == dv, jnp.full((L,), TRASH, jnp.int32), dv)
        pltpu.sync_copy(hs_hbm.at[src_v], rows_v)
        pltpu.sync_copy(rows_v, acc_sh.at[dstp_v], add=True)
        return 0

    lax.fori_loop(0, NCHUNK, step, 0)
    plsc.subcore_barrier()
    pltpu.sync_copy(acc_sh.at[pl.ds(s * STRIPE, STRIPE)],
                    agg_out.at[c, pl.ds(s * STRIPE, STRIPE)])


def _tc2_body(a0_ref, a1_ref, hs_ref, dinv_ref, b_ref, bnw_ref, bnb_ref,
              out_ref):
    t = (a0_ref[...] + a1_ref[...] + hs_ref[...]) * dinv_ref[...] + b_ref[...]
    mean = jnp.mean(t, axis=0, keepdims=True)
    var = jnp.mean((t - mean) ** 2, axis=0, keepdims=True)
    y = (t - mean) * lax.rsqrt(var + EPS) * bnw_ref[...] + bnb_ref[...]
    out_ref[...] = jnp.maximum(y, 0.0)


def _tc2(a0, a1, hs, dinv, b, bn_w, bn_b):
    return pl.pallas_call(
        _tc2_body,
        out_shape=jax.ShapeDtypeStruct((N, D), jnp.float32),
    )(a0, a1, hs, dinv, b, bn_w, bn_b)


def kernel(x, edge_index, num_nodes, W, b, bn_w, bn_b):
    del num_nodes
    src = edge_index[0]
    dst = edge_index[1]
    zero_col = jnp.zeros((NP,), jnp.float32)
    zero_rows = jnp.zeros((NP, D), jnp.float32)

    degp = _deg_sc(src, dst, zero_col)
    d0 = degp[0, :N].reshape(N, 1)
    d1 = degp[1, :N].reshape(N, 1)
    hs, dinv = _tc1(x, W, d0, d1)
    aggp = _agg_sc(src, dst, hs, zero_rows)
    return _tc2(aggp[0, :N], aggp[1, :N], hs, dinv,
                b.reshape(1, D), bn_w.reshape(1, D), bn_b.reshape(1, D))

# --- scband reference (transcript-rebuilt; emitter-appended) ---
"""Pipeline reference for scband-slegnnlayer-59674275610638 (READ-ONLY COPY).

The authoritative reference and input builder live on the scoring server;
editing this copy changes nothing except your own understanding.
"""

import jax, jax.numpy as jnp
import numpy as np

N = 10000
E = 320000
D_IN = 128
D_OUT = 128
EPS = 1e-5


def _preprocess_edges(edge_index, num_nodes):
    # _add_custom_self_loops(layer_idx=1): remove existing self loops, add 1 self loop per node.
    # GCNConv's gcn_norm then calls add_remaining_self_loops which collapses self loops
    # to exactly one per node with weight 1 -> net effect: one self loop per node.
    src, dst = edge_index[0], edge_index[1]
    keep = (src != dst).astype(jnp.float32)
    loops = jnp.arange(N, dtype=src.dtype) % jnp.maximum(num_nodes, 1).astype(src.dtype)
    src = jnp.concatenate([src, loops])
    dst = jnp.concatenate([dst, loops])
    ew = jnp.concatenate([keep, jnp.ones((N,), dtype=jnp.float32)])
    return src, dst, ew


def setup_inputs(seed: int = 0) -> dict:
    key = jax.random.key(seed)
    k1, k2, k3 = jax.random.split(key, 3)
    x = jax.random.normal(k1, (N, D_IN), dtype=jnp.float32)
    edge_index = jax.random.randint(k2, (2, E), 0, N, dtype=jnp.int32)
    W = jax.random.normal(k3, (D_OUT, D_IN), dtype=jnp.float32) * (1.0 / np.sqrt(D_IN))
    b = jnp.zeros((D_OUT,), dtype=jnp.float32)
    bn_w = jnp.ones((D_OUT,), dtype=jnp.float32)
    bn_b = jnp.zeros((D_OUT,), dtype=jnp.float32)
    return {"x": x, "edge_index": edge_index, "num_nodes": N, "W": W, "b": b, "bn_w": bn_w, "bn_b": bn_b}


def reference(x, edge_index, num_nodes, W, b, bn_w, bn_b):
    src, dst, ew = _preprocess_edges(edge_index, num_nodes)
    # GCNConv: linear transform first (lin has no bias; bias added after aggregation)
    h = x @ W.T
    ew = ew.astype(x.dtype)
    # gcn_norm: deg over destination (col) index for source_to_target flow
    deg = jnp.zeros((N,), dtype=x.dtype).at[dst].add(ew)
    dinv = jnp.where(deg > 0, 1.0 / jnp.sqrt(jnp.where(deg > 0, deg, 1.0)), 0.0)
    norm = dinv[src] * ew * dinv[dst]
    # message = norm * x_j (gather from src), aggregate sum at dst
    msg = h[src] * norm[:, None]
    out = jnp.zeros((N, h.shape[1]), dtype=x.dtype).at[dst].add(msg)
    out = out + b
    # BatchNorm1d in training mode (batch statistics, biased variance)
    mean = out.mean(axis=0)
    var = ((out - mean) ** 2).mean(axis=0)
    out = (out - mean) / jnp.sqrt(var + EPS) * bn_w + bn_b
    return jax.nn.relu(out)

if __name__ == "__main__":
    import jax
    _d = setup_inputs()
    print(jax.jit(kernel)(*tuple(_d.values())))

</pallas_src>

<mosaic_0001>
#map = affine_map<(d0, d1) -> (0)>
#map1 = affine_map<(d0, d1) -> (0, 0)>
#map2 = affine_map<(d0, d1) -> (0, 0, 0)>
module attributes {stable_mosaic.version = 14 : i64} {
  func.func @_agg_sc(%arg0: i32, %arg1: i32, %arg2: memref<320000xi32, #tpu.memory_space<hbm>>, %arg3: memref<320000xi32, #tpu.memory_space<hbm>>, %arg4: memref<10000x128xf32, #tpu.memory_space<hbm>>, %arg5: memref<10240x128xf32, #tpu.memory_space<hbm>>, %arg6: memref<2x10240x128xf32, #tpu.memory_space<hbm>>, %arg7: memref<80xi32, #tpu.memory_space<vmem>>, %arg8: memref<80xi32, #tpu.memory_space<vmem>>, %arg9: memref<80xi32, #tpu.memory_space<vmem>>, %arg10: memref<80x128xf32, #tpu.memory_space<vmem>>, %arg11: memref<10240x128xf32, #tpu.memory_space<vmem_shared>>) attributes {dimension_semantics = [#tpu.dimension_semantics<core_parallel>, #tpu.dimension_semantics<subcore_parallel>], iteration_bounds = array<i64: 2, 16>, scalar_prefetch = 0 : i64, scratch_operands = 5 : i64, tpu.core_type = #tpu.core_type<sc_vector_subcore>, window_params = [{transform_indices = #map}, {transform_indices = #map}, {transform_indices = #map1}, {transform_indices = #map1}, {transform_indices = #map2}]} {
    %mul3A = arith.constant 2 : i32
    %mul3A_0 = arith.muli %arg1, %mul3A : i32
    %add3A = arith.addi %mul3A_0, %arg0 : i32
    %mul3A_1 = arith.constant 640 : i32
    %mul3A_2 = arith.muli %arg1, %mul3A_1 : i32
    %mul3A_3 = arith.constant 640 : i32
    %mul3A_4 = arith.muli %arg1, %mul3A_3 : i32
    "tpu.region"() ({
      %run_scoped3A = tpu.sem_alloc : memref<!tpu.dma_semaphore, #tpu.memory_space<semaphore_mem>>
      %dma_start3A = arith.constant 0 : i32
      %dma_start3A_16 = tpu.memref_slice %arg11[%mul3A_4, %dma_start3A] : memref<10240x128xf32, #tpu.memory_space<vmem_shared>> -> memref<640x128xf32, #tpu.memory_space<vmem_shared>>
      %dma_start3A_17 = arith.constant 0 : i32
      %dma_start3A_18 = tpu.memref_slice %arg5[%mul3A_2, %dma_start3A_17] : memref<10240x128xf32, #tpu.memory_space<hbm>> -> memref<640x128xf32, #tpu.memory_space<hbm>>
      tpu.enqueue_dma source(%dma_start3A_18 : memref<640x128xf32, #tpu.memory_space<hbm>>) target(%dma_start3A_16 : memref<640x128xf32, #tpu.memory_space<vmem_shared>>) target_semaphore(%run_scoped3A : memref<!tpu.dma_semaphore, #tpu.memory_space<semaphore_mem>>)
      %dma_wait3A = arith.constant 0 : i32
      %dma_wait3A_19 = tpu.memref_slice %arg11[%mul3A_4, %dma_wait3A] : memref<10240x128xf32, #tpu.memory_space<vmem_shared>> -> memref<640x128xf32, #tpu.memory_space<vmem_shared>>
      %dma_wait3A_20 = arith.constant 0 : i32
      %dma_wait3A_21 = tpu.memref_slice %arg5[%mul3A_2, %dma_wait3A_20] : memref<10240x128xf32, #tpu.memory_space<hbm>> -> memref<640x128xf32, #tpu.memory_space<hbm>>
      tpu.wait_dma2 semaphore(%run_scoped3A : memref<!tpu.dma_semaphore, #tpu.memory_space<semaphore_mem>>) src(%dma_wait3A_21 : memref<640x128xf32, #tpu.memory_space<hbm>>) dst(%dma_wait3A_19 : memref<640x128xf32, #tpu.memory_space<vmem_shared>>)
      tpu.yield
    }) : () -> ()
    %barrier3A = arith.constant 0 : index
    tpu.barrier barrier_id(%barrier3A)
    %scan3A = arith.constant 0 : i32
    %scan3A_5 = arith.constant 0 : i32
    %scan3A_6 = arith.constant 125 : i32
    %scan3A_7 = arith.addi %scan3A_5, %scan3A_6 : i32
    %scan3A_8 = arith.constant 1 : i32
    %scan3A_9 = scf.for %scan3A_16 = %scan3A_5 to %scan3A_7 step %scan3A_8 iter_args(%scan3A_17 = %scan3A) -> (i32)  : i32 {
      %mul3A_18 = arith.constant 10000 : i32
      %mul3A_19 = arith.muli %add3A, %mul3A_18 : i32
      %mul3A_20 = arith.constant 80 : i32
      %mul3A_21 = arith.muli %scan3A_16, %mul3A_20 : i32
      %add3A_22 = arith.addi %mul3A_19, %mul3A_21 : i32
      "tpu.region"() ({
        %run_scoped3A = tpu.sem_alloc : memref<!tpu.dma_semaphore, #tpu.memory_space<semaphore_mem>>
        %dma_start3A = tpu.memref_slice %arg2[%add3A_22] : memref<320000xi32, #tpu.memory_space<hbm>> -> memref<80xi32, #tpu.memory_space<hbm>>
        %dma_start3A_89 = tpu.memref_slice %arg2[%add3A_22] : memref<320000xi32, #tpu.memory_space<hbm>> -> memref<80xi32, #tpu.memory_space<hbm>>
        tpu.enqueue_dma source(%dma_start3A_89 : memref<80xi32, #tpu.memory_space<hbm>>) target(%arg7 : memref<80xi32, #tpu.memory_space<vmem>>) target_semaphore(%run_scoped3A : memref<!tpu.dma_semaphore, #tpu.memory_space<semaphore_mem>>)
        %dma_wait3A = tpu.memref_slice %arg2[%add3A_22] : memref<320000xi32, #tpu.memory_space<hbm>> -> memref<80xi32, #tpu.memory_space<hbm>>
        %dma_wait3A_90 = tpu.memref_slice %arg2[%add3A_22] : memref<320000xi32, #tpu.memory_space<hbm>> -> memref<80xi32, #tpu.memory_space<hbm>>
        tpu.wait_dma2 semaphore(%run_scoped3A : memref<!tpu.dma_semaphore, #tpu.memory_space<semaphore_mem>>) src(%dma_wait3A_90 : memref<80xi32, #tpu.memory_space<hbm>>) dst(%arg7 : memref<80xi32, #tpu.memory_space<vmem>>)
        tpu.yield
      }) : () -> ()
      "tpu.region"() ({
        %run_scoped3A = tpu.sem_alloc : memref<!tpu.dma_semaphore, #tpu.memory_space<semaphore_mem>>
        %dma_start3A = tpu.memref_slice %arg3[%add3A_22] : memref<320000xi32, #tpu.memory_space<hbm>> -> memref<80xi32, #tpu.memory_space<hbm>>
        %dma_start3A_89 = tpu.memref_slice %arg3[%add3A_22] : memref<320000xi32, #tpu.memory_space<hbm>> -> memref<80xi32, #tpu.memory_space<hbm>>
        tpu.enqueue_dma source(%dma_start3A_89 : memref<80xi32, #tpu.memory_space<hbm>>) target(%arg8 : memref<80xi32, #tpu.memory_space<vmem>>) target_semaphore(%run_scoped3A : memref<!tpu.dma_semaphore, #tpu.memory_space<semaphore_mem>>)
        %dma_wait3A = tpu.memref_slice %arg3[%add3A_22] : memref<320000xi32, #tpu.memory_space<hbm>> -> memref<80xi32, #tpu.memory_space<hbm>>
        %dma_wait3A_90 = tpu.memref_slice %arg3[%add3A_22] : memref<320000xi32, #tpu.memory_space<hbm>> -> memref<80xi32, #tpu.memory_space<hbm>>
        tpu.wait_dma2 semaphore(%run_scoped3A : memref<!tpu.dma_semaphore, #tpu.memory_space<semaphore_mem>>) src(%dma_wait3A_90 : memref<80xi32, #tpu.memory_space<hbm>>) dst(%arg8 : memref<80xi32, #tpu.memory_space<vmem>>)
        tpu.yield
      }) : () -> ()
      %get3A = arith.constant 0 : index
      %get3A_23 = tpu.vector_load %arg7[%get3A] {strides = array<i32>} : memref<80xi32, #tpu.memory_space<vmem>>, vector<16xi32>,
      %get3A_24 = vector.shape_cast %get3A_23 : vector<16xi32> to vector<16xi32>
      %get3A_25 = arith.constant 0 : index
      %get3A_26 = tpu.vector_load %arg8[%get3A_25] {strides = array<i32>} : memref<80xi32, #tpu.memory_space<vmem>>, vector<16xi32>,
      %get3A_27 = vector.shape_cast %get3A_26 : vector<16xi32> to vector<16xi32>
      %eq3A = arith.cmpi eq, %get3A_24, %get3A_27 : vector<16xi32>
      %broadcast_in_dim3A = arith.constant 10000 : i32
      %broadcast_in_dim3A_28 = vector.broadcast %broadcast_in_dim3A : i32 to vector<16xi32>
      %select_n3A = arith.select %eq3A, %broadcast_in_dim3A_28, %get3A_27 : vector<16xi1>, vector<16xi32>
      %swap3A = arith.constant 0 : index
      %swap3A_29 = tpu.vector_load %arg9[%swap3A] {strides = array<i32>} : memref<80xi32, #tpu.memory_space<vmem>>, vector<16xi32>,
      %swap3A_30 = vector.shape_cast %swap3A_29 : vector<16xi32> to vector<16xi32>
      %swap3A_31 = vector.shape_cast %select_n3A : vector<16xi32> to vector<16xi32>
      tpu.vector_store %arg9[%swap3A], %swap3A_31 {strides = array<i32>} : memref<80xi32, #tpu.memory_space<vmem>>, vector<16xi32>,
      %get3A_32 = arith.constant 16 : index
      %get3A_33 = tpu.vector_load %arg7[%get3A_32] {strides = array<i32>} : memref<80xi32, #tpu.memory_space<vmem>>, vector<16xi32>,
      %get3A_34 = vector.shape_cast %get3A_33 : vector<16xi32> to vector<16xi32>
      %get3A_35 = arith.constant 16 : index
      %get3A_36 = tpu.vector_load %arg8[%get3A_35] {strides = array<i32>} : memref<80xi32, #tpu.memory_space<vmem>>, vector<16xi32>,
      %get3A_37 = vector.shape_cast %get3A_36 : vector<16xi32> to vector<16xi32>
      %eq3A_38 = arith.cmpi eq, %get3A_34, %get3A_37 : vector<16xi32>
      %broadcast_in_dim3A_39 = arith.constant 10000 : i32
      %broadcast_in_dim3A_40 = vector.broadcast %broadcast_in_dim3A_39 : i32 to vector<16xi32>
      %select_n3A_41 = arith.select %eq3A_38, %broadcast_in_dim3A_40, %get3A_37 : vector<16xi1>, vector<16xi32>
      %swap3A_42 = arith.constant 16 : index
      %swap3A_43 = tpu.vector_load %arg9[%swap3A_42] {strides = array<i32>} : memref<80xi32, #tpu.memory_space<vmem>>, vector<16xi32>,
      %swap3A_44 = vector.shape_cast %swap3A_43 : vector<16xi32> to vector<16xi32>
      %swap3A_45 = vector.shape_cast %select_n3A_41 : vector<16xi32> to vector<16xi32>
      tpu.vector_store %arg9[%swap3A_42], %swap3A_45 {strides = array<i32>} : memref<80xi32, #tpu.memory_space<vmem>>, vector<16xi32>,
      %get3A_46 = arith.constant 32 : index
      %get3A_47 = tpu.vector_load %arg7[%get3A_46] {strides = array<i32>} : memref<80xi32, #tpu.memory_space<vmem>>, vector<16xi32>,
      %get3A_48 = vector.shape_cast %get3A_47 : vector<16xi32> to vector<16xi32>
      %get3A_49 = arith.constant 32 : index
      %get3A_50 = tpu.vector_load %arg8[%get3A_49] {strides = array<i32>} : memref<80xi32, #tpu.memory_space<vmem>>, vector<16xi32>,
      %get3A_51 = vector.shape_cast %get3A_50 : vector<16xi32> to vector<16xi32>
      %eq3A_52 = arith.cmpi eq, %get3A_48, %get3A_51 : vector<16xi32>
      %broadcast_in_dim3A_53 = arith.constant 10000 : i32
      %broadcast_in_dim3A_54 = vector.broadcast %broadcast_in_dim3A_53 : i32 to vector<16xi32>
      %select_n3A_55 = arith.select %eq3A_52, %broadcast_in_dim3A_54, %get3A_51 : vector<16xi1>, vector<16xi32>
      %swap3A_56 = arith.constant 32 : index
      %swap3A_57 = tpu.vector_load %arg9[%swap3A_56] {strides = array<i32>} : memref<80xi32, #tpu.memory_space<vmem>>, vector<16xi32>,
      %swap3A_58 = vector.shape_cast %swap3A_57 : vector<16xi32> to vector<16xi32>
      %swap3A_59 = vector.shape_cast %select_n3A_55 : vector<16xi32> to vector<16xi32>
      tpu.vector_store %arg9[%swap3A_56], %swap3A_59 {strides = array<i32>} : memref<80xi32, #tpu.memory_space<vmem>>, vector<16xi32>,
      %get3A_60 = arith.constant 48 : index
      %get3A_61 = tpu.vector_load %arg7[%get3A_60] {strides = array<i32>} : memref<80xi32, #tpu.memory_space<vmem>>, vector<16xi32>,
      %get3A_62 = vector.shape_cast %get3A_61 : vector<16xi32> to vector<16xi32>
      %get3A_63 = arith.constant 48 : index
      %get3A_64 = tpu.vector_load %arg8[%get3A_63] {strides = array<i32>} : memref<80xi32, #tpu.memory_space<vmem>>, vector<16xi32>,
      %get3A_65 = vector.shape_cast %get3A_64 : vector<16xi32> to vector<16xi32>
      %eq3A_66 = arith.cmpi eq, %get3A_62, %get3A_65 : vector<16xi32>
      %broadcast_in_dim3A_67 = arith.constant 10000 : i32
      %broadcast_in_dim3A_68 = vector.broadcast %broadcast_in_dim3A_67 : i32 to vector<16xi32>
      %select_n3A_69 = arith.select %eq3A_66, %broadcast_in_dim3A_68, %get3A_65 : vector<16xi1>, vector<16xi32>
      %swap3A_70 = arith.constant 48 : index
      %swap3A_71 = tpu.vector_load %arg9[%swap3A_70] {strides = array<i32>} : memref<80xi32, #tpu.memory_space<vmem>>, vector<16xi32>,
      %swap3A_72 = vector.shape_cast %swap3A_71 : vector<16xi32> to vector<16xi32>
      %swap3A_73 = vector.shape_cast %select_n3A_69 : vector<16xi32> to vector<16xi32>
      tpu.vector_store %arg9[%swap3A_70], %swap3A_73 {strides = array<i32>} : memref<80xi32, #tpu.memory_space<vmem>>, vector<16xi32>,
      %get3A_74 = arith.constant 64 : index
      %get3A_75 = tpu.vector_load %arg7[%get3A_74] {strides = array<i32>} : memref<80xi32, #tpu.memory_space<vmem>>, vector<16xi32>,
      %get3A_76 = vector.shape_cast %get3A_75 : vector<16xi32> to vector<16xi32>
      %get3A_77 = arith.constant 64 : index
      %get3A_78 = tpu.vector_load %arg8[%get3A_77] {strides = array<i32>} : memref<80xi32, #tpu.memory_space<vmem>>, vector<16xi32>,
      %get3A_79 = vector.shape_cast %get3A_78 : vector<16xi32> to vector<16xi32>
      %eq3A_80 = arith.cmpi eq, %get3A_76, %get3A_79 : vector<16xi32>
      %broadcast_in_dim3A_81 = arith.constant 10000 : i32
      %broadcast_in_dim3A_82 = vector.broadcast %broadcast_in_dim3A_81 : i32 to vector<16xi32>
      %select_n3A_83 = arith.select %eq3A_80, %broadcast_in_dim3A_82, %get3A_79 : vector<16xi1>, vector<16xi32>
      %swap3A_84 = arith.constant 64 : index
      %swap3A_85 = tpu.vector_load %arg9[%swap3A_84] {strides = array<i32>} : memref<80xi32, #tpu.memory_space<vmem>>, vector<16xi32>,
      %swap3A_86 = vector.shape_cast %swap3A_85 : vector<16xi32> to vector<16xi32>
      %swap3A_87 = vector.shape_cast %select_n3A_83 : vector<16xi32> to vector<16xi32>
      tpu.vector_store %arg9[%swap3A_84], %swap3A_87 {strides = array<i32>} : memref<80xi32, #tpu.memory_space<vmem>>, vector<16xi32>,
      "tpu.region"() ({
        %run_scoped3A = tpu.sem_alloc : memref<!tpu.dma_semaphore, #tpu.memory_space<semaphore_mem>>
        %dma_start3A = arith.constant 0 : i32
        %dma_start3A_89 = arith.constant 0 : i32
        %dma_start3A_90 = tpu.memref_slice %arg4[%dma_start3A, %dma_start3A_89] : memref<10000x128xf32, #tpu.memory_space<hbm>> -> memref<10000x128xf32, #tpu.memory_space<hbm>>
        tpu.enqueue_indirect_dma source(%dma_start3A_90 : memref<10000x128xf32, #tpu.memory_space<hbm>>) target(%arg10 : memref<80x128xf32, #tpu.memory_space<vmem>>) offsets(%arg7 : memref<80xi32, #tpu.memory_space<vmem>>) semaphore(%run_scoped3A : memref<!tpu.dma_semaphore, #tpu.memory_space<semaphore_mem>>)
        %dma_wait3A = arith.constant 0 : i32
        %dma_wait3A_91 = arith.constant 0 : i32
        %dma_wait3A_92 = tpu.memref_slice %arg4[%dma_wait3A, %dma_wait3A_91] : memref<10000x128xf32, #tpu.memory_space<hbm>> -> memref<10000x128xf32, #tpu.memory_space<hbm>>
        tpu.wait_indirect_dma semaphore(%run_scoped3A : memref<!tpu.dma_semaphore, #tpu.memory_space<semaphore_mem>>) src(%dma_wait3A_92 : memref<10000x128xf32, #tpu.memory_space<hbm>>) dst(%arg10 : memref<80x128xf32, #tpu.memory_space<vmem>>)
        tpu.yield
      }) : () -> ()
      "tpu.region"() ({
        %run_scoped3A = tpu.sem_alloc : memref<!tpu.dma_semaphore, #tpu.memory_space<semaphore_mem>>
        %dma_start3A = arith.constant 0 : i32
        %dma_start3A_89 = arith.constant 0 : i32
        %dma_start3A_90 = tpu.memref_slice %arg11[%dma_start3A, %dma_start3A_89] : memref<10240x128xf32, #tpu.memory_space<vmem_shared>> -> memref<10240x128xf32, #tpu.memory_space<vmem_shared>>
        tpu.enqueue_indirect_dma source(%arg10 : memref<80x128xf32, #tpu.memory_space<vmem>>) target(%dma_start3A_90 : memref<10240x128xf32, #tpu.memory_space<vmem_shared>>) offsets(%arg9 : memref<80xi32, #tpu.memory_space<vmem>>) semaphore(%run_scoped3A : memref<!tpu.dma_semaphore, #tpu.memory_space<semaphore_mem>>) {add = true}
        %dma_wait3A = arith.constant 0 : i32
        %dma_wait3A_91 = arith.constant 0 : i32
        %dma_wait3A_92 = tpu.memref_slice %arg11[%dma_wait3A, %dma_wait3A_91] : memref<10240x128xf32, #tpu.memory_space<vmem_shared>> -> memref<10240x128xf32, #tpu.memory_space<vmem_shared>>
        tpu.wait_indirect_dma semaphore(%run_scoped3A : memref<!tpu.dma_semaphore, #tpu.memory_space<semaphore_mem>>) src(%arg10 : memref<80x128xf32, #tpu.memory_space<vmem>>) dst(%dma_wait3A_92 : memref<10240x128xf32, #tpu.memory_space<vmem_shared>>)
        tpu.yield
      }) : () -> ()
      %scan3A_88 = arith.constant 0 : i32
      scf.yield %scan3A_88 : i32
    }
    %scan3A_10 = arith.constant 125 : i32
    %barrier3A_11 = arith.constant 0 : index
    tpu.barrier barrier_id(%barrier3A_11)
    %mul3A_12 = arith.constant 640 : i32
    %mul3A_13 = arith.muli %arg1, %mul3A_12 : i32
    %mul3A_14 = arith.constant 640 : i32
    %mul3A_15 = arith.muli %arg1, %mul3A_14 : i32
    "tpu.region"() ({
      %run_scoped3A = tpu.sem_alloc : memref<!tpu.dma_semaphore, #tpu.memory_space<semaphore_mem>>
      %dma_start3A = arith.constant 0 : i32
      %dma_start3A_16 = tpu.memref_slice %arg6[%arg0, %mul3A_15, %dma_start3A] : memref<2x10240x128xf32, #tpu.memory_space<hbm>> -> memref<1x640x128xf32, #tpu.memory_space<hbm>>
      %dma_start3A_17 = tpu.memref_squeeze %dma_start3A_16 : memref<1x640x128xf32, #tpu.memory_space<hbm>> -> memref<640x128xf32, #tpu.memory_space<hbm>>
      %dma_start3A_18 = arith.constant 0 : i32
      %dma_start3A_19 = tpu.memref_slice %arg11[%mul3A_13, %dma_start3A_18] : memref<10240x128xf32, #tpu.memory_space<vmem_shared>> -> memref<640x128xf32, #tpu.memory_space<vmem_shared>>
      tpu.enqueue_dma source(%dma_start3A_19 : memref<640x128xf32, #tpu.memory_space<vmem_shared>>) target(%dma_start3A_17 : memref<640x128xf32, #tpu.memory_space<hbm>>) target_semaphore(%run_scoped3A : memref<!tpu.dma_semaphore, #tpu.memory_space<semaphore_mem>>)
      %dma_wait3A = arith.constant 0 : i32
      %dma_wait3A_20 = tpu.memref_slice %arg6[%arg0, %mul3A_15, %dma_wait3A] : memref<2x10240x128xf32, #tpu.memory_space<hbm>> -> memref<1x640x128xf32, #tpu.memory_space<hbm>>
      %dma_wait3A_21 = tpu.memref_squeeze %dma_wait3A_20 : memref<1x640x128xf32, #tpu.memory_space<hbm>> -> memref<640x128xf32, #tpu.memory_space<hbm>>
      %dma_wait3A_22 = arith.constant 0 : i32
      %dma_wait3A_23 = tpu.memref_slice %arg11[%mul3A_13, %dma_wait3A_22] : memref<10240x128xf32, #tpu.memory_space<vmem_shared>> -> memref<640x128xf32, #tpu.memory_space<vmem_shared>>
      tpu.wait_dma2 semaphore(%run_scoped3A : memref<!tpu.dma_semaphore, #tpu.memory_space<semaphore_mem>>) src(%dma_wait3A_23 : memref<640x128xf32, #tpu.memory_space<vmem_shared>>) dst(%dma_wait3A_21 : memref<640x128xf32, #tpu.memory_space<hbm>>)
      tpu.yield
    }) : () -> ()
    return
  }
}

#map = affine_map<(d0, d1) -> (0)>
#map1 = affine_map<(d0, d1) -> (0, 0)>
module attributes {stable_mosaic.version = 14 : i64} {
  func.func @_deg_sc(%arg0: i32, %arg1: i32, %arg2: memref<320000xi32, #tpu.memory_space<hbm>>, %arg3: memref<320000xi32, #tpu.memory_space<hbm>>, %arg4: memref<10240xf32, #tpu.memory_space<hbm>>, %arg5: memref<2x10240xf32, #tpu.memory_space<hbm>>, %arg6: memref<80xi32, #tpu.memory_space<vmem>>, %arg7: memref<80xi32, #tpu.memory_space<vmem>>, %arg8: memref<80xi32, #tpu.memory_space<vmem>>, %arg9: memref<80xf32, #tpu.memory_space<vmem>>, %arg10: memref<10240xf32, #tpu.memory_space<vmem_shared>>) attributes {dimension_semantics = [#tpu.dimension_semantics<core_parallel>, #tpu.dimension_semantics<subcore_parallel>], iteration_bounds = array<i64: 2, 16>, scalar_prefetch = 0 : i64, scratch_operands = 5 : i64, tpu.core_type = #tpu.core_type<sc_vector_subcore>, window_params = [{transform_indices = #map}, {transform_indices = #map}, {transform_indices = #map}, {transform_indices = #map1}]} {
    %mul3A = arith.constant 2 : i32
    %mul3A_0 = arith.muli %arg1, %mul3A : i32
    %add3A = arith.addi %mul3A_0, %arg0 : i32
    %scan3A = arith.constant 0 : i32
    %scan3A_1 = arith.constant 0 : i32
    %scan3A_2 = arith.constant 5 : i32
    %scan3A_3 = arith.addi %scan3A_1, %scan3A_2 : i32
    %scan3A_4 = arith.constant 1 : i32
    %scan3A_5 = scf.for %scan3A_23 = %scan3A_1 to %scan3A_3 step %scan3A_4 iter_args(%scan3A_24 = %scan3A) -> (i32)  : i32 {
      %broadcast_in_dim3A = arith.constant 1.000000e+00 : f32
      %broadcast_in_dim3A_25 = vector.broadcast %broadcast_in_dim3A : f32 to vector<16xf32>
      %mul3A_26 = arith.constant 16 : i32
      %mul3A_27 = arith.muli %scan3A_23, %mul3A_26 : i32
      %swap3A = arith.index_cast %mul3A_27 : i32 to index
      %swap3A_28 = tpu.vector_load %arg9[%swap3A] {strides = array<i32>} : memref<80xf32, #tpu.memory_space<vmem>>, vector<16xf32>,
      %swap3A_29 = vector.shape_cast %swap3A_28 : vector<16xf32> to vector<16xf32>
      %swap3A_30 = vector.shape_cast %broadcast_in_dim3A_25 : vector<16xf32> to vector<16xf32>
      tpu.vector_store %arg9[%swap3A], %swap3A_30 {strides = array<i32>} : memref<80xf32, #tpu.memory_space<vmem>>, vector<16xf32>,
      %scan3A_31 = arith.constant 0 : i32
      scf.yield %scan3A_31 : i32
    }
    %scan3A_6 = arith.constant 5 : i32
    %mul3A_7 = arith.constant 640 : i32
    %mul3A_8 = arith.muli %arg1, %mul3A_7 : i32
    %mul3A_9 = arith.constant 640 : i32
    %mul3A_10 = arith.muli %arg1, %mul3A_9 : i32
    "tpu.region"() ({
      %run_scoped3A = tpu.sem_alloc : memref<!tpu.dma_semaphore, #tpu.memory_space<semaphore_mem>>
      %dma_start3A = tpu.memref_slice %arg10[%mul3A_10] : memref<10240xf32, #tpu.memory_space<vmem_shared>> -> memref<640xf32, #tpu.memory_space<vmem_shared>>
      %dma_start3A_23 = tpu.memref_slice %arg4[%mul3A_8] : memref<10240xf32, #tpu.memory_space<hbm>> -> memref<640xf32, #tpu.memory_space<hbm>>
      tpu.enqueue_dma source(%dma_start3A_23 : memref<640xf32, #tpu.memory_space<hbm>>) target(%dma_start3A : memref<640xf32, #tpu.memory_space<vmem_shared>>) target_semaphore(%run_scoped3A : memref<!tpu.dma_semaphore, #tpu.memory_space<semaphore_mem>>)
      %dma_wait3A = tpu.memref_slice %arg10[%mul3A_10] : memref<10240xf32, #tpu.memory_space<vmem_shared>> -> memref<640xf32, #tpu.memory_space<vmem_shared>>
      %dma_wait3A_24 = tpu.memref_slice %arg4[%mul3A_8] : memref<10240xf32, #tpu.memory_space<hbm>> -> memref<640xf32, #tpu.memory_space<hbm>>
      tpu.wait_dma2 semaphore(%run_scoped3A : memref<!tpu.dma_semaphore, #tpu.memory_space<semaphore_mem>>) src(%dma_wait3A_24 : memref<640xf32, #tpu.memory_space<hbm>>) dst(%dma_wait3A : memref<640xf32, #tpu.memory_space<vmem_shared>>)
      tpu.yield
    }) : () -> ()
    %barrier3A = arith.constant 0 : index
    tpu.barrier barrier_id(%barrier3A)
    %scan3A_11 = arith.constant 0 : i32
    %scan3A_12 = arith.constant 0 : i32
    %scan3A_13 = arith.constant 125 : i32
    %scan3A_14 = arith.addi %scan3A_12, %scan3A_13 : i32
    %scan3A_15 = arith.constant 1 : i32
    %scan3A_16 = scf.for %scan3A_23 = %scan3A_12 to %scan3A_14 step %scan3A_15 iter_args(%scan3A_24 = %scan3A_11) -> (i32)  : i32 {
      %mul3A_25 = arith.constant 10000 : i32
      %mul3A_26 = arith.muli %add3A, %mul3A_25 : i32
      %mul3A_27 = arith.constant 80 : i32
      %mul3A_28 = arith.muli %scan3A_23, %mul3A_27 : i32
      %add3A_29 = arith.addi %mul3A_26, %mul3A_28 : i32
      "tpu.region"() ({
        %run_scoped3A = tpu.sem_alloc : memref<!tpu.dma_semaphore, #tpu.memory_space<semaphore_mem>>
        %dma_start3A = tpu.memref_slice %arg2[%add3A_29] : memref<320000xi32, #tpu.memory_space<hbm>> -> memref<80xi32, #tpu.memory_space<hbm>>
        %dma_start3A_96 = tpu.memref_slice %arg2[%add3A_29] : memref<320000xi32, #tpu.memory_space<hbm>> -> memref<80xi32, #tpu.memory_space<hbm>>
        tpu.enqueue_dma source(%dma_start3A_96 : memref<80xi32, #tpu.memory_space<hbm>>) target(%arg6 : memref<80xi32, #tpu.memory_space<vmem>>) target_semaphore(%run_scoped3A : memref<!tpu.dma_semaphore, #tpu.memory_space<semaphore_mem>>)
        %dma_wait3A = tpu.memref_slice %arg2[%add3A_29] : memref<320000xi32, #tpu.memory_space<hbm>> -> memref<80xi32, #tpu.memory_space<hbm>>
        %dma_wait3A_97 = tpu.memref_slice %arg2[%add3A_29] : memref<320000xi32, #tpu.memory_space<hbm>> -> memref<80xi32, #tpu.memory_space<hbm>>
        tpu.wait_dma2 semaphore(%run_scoped3A : memref<!tpu.dma_semaphore, #tpu.memory_space<semaphore_mem>>) src(%dma_wait3A_97 : memref<80xi32, #tpu.memory_space<hbm>>) dst(%arg6 : memref<80xi32, #tpu.memory_space<vmem>>)
        tpu.yield
      }) : () -> ()
      "tpu.region"() ({
        %run_scoped3A = tpu.sem_alloc : memref<!tpu.dma_semaphore, #tpu.memory_space<semaphore_mem>>
        %dma_start3A = tpu.memref_slice %arg3[%add3A_29] : memref<320000xi32, #tpu.memory_space<hbm>> -> memref<80xi32, #tpu.memory_space<hbm>>
        %dma_start3A_96 = tpu.memref_slice %arg3[%add3A_29] : memref<320000xi32, #tpu.memory_space<hbm>> -> memref<80xi32, #tpu.memory_space<hbm>>
        tpu.enqueue_dma source(%dma_start3A_96 : memref<80xi32, #tpu.memory_space<hbm>>) target(%arg7 : memref<80xi32, #tpu.memory_space<vmem>>) target_semaphore(%run_scoped3A : memref<!tpu.dma_semaphore, #tpu.memory_space<semaphore_mem>>)
        %dma_wait3A = tpu.memref_slice %arg3[%add3A_29] : memref<320000xi32, #tpu.memory_space<hbm>> -> memref<80xi32, #tpu.memory_space<hbm>>
        %dma_wait3A_97 = tpu.memref_slice %arg3[%add3A_29] : memref<320000xi32, #tpu.memory_space<hbm>> -> memref<80xi32, #tpu.memory_space<hbm>>
        tpu.wait_dma2 semaphore(%run_scoped3A : memref<!tpu.dma_semaphore, #tpu.memory_space<semaphore_mem>>) src(%dma_wait3A_97 : memref<80xi32, #tpu.memory_space<hbm>>) dst(%arg7 : memref<80xi32, #tpu.memory_space<vmem>>)
        tpu.yield
      }) : () -> ()
      %get3A = arith.constant 0 : index
      %get3A_30 = tpu.vector_load %arg6[%get3A] {strides = array<i32>} : memref<80xi32, #tpu.memory_space<vmem>>, vector<16xi32>,
      %get3A_31 = vector.shape_cast %get3A_30 : vector<16xi32> to vector<16xi32>
      %get3A_32 = arith.constant 0 : index
      %get3A_33 = tpu.vector_load %arg7[%get3A_32] {strides = array<i32>} : memref<80xi32, #tpu.memory_space<vmem>>, vector<16xi32>,
      %get3A_34 = vector.shape_cast %get3A_33 : vector<16xi32> to vector<16xi32>
      %eq3A = arith.cmpi eq, %get3A_31, %get3A_34 : vector<16xi32>
      %broadcast_in_dim3A = arith.constant 10000 : i32
      %broadcast_in_dim3A_35 = vector.broadcast %broadcast_in_dim3A : i32 to vector<16xi32>
      %select_n3A = arith.select %eq3A, %broadcast_in_dim3A_35, %get3A_34 : vector<16xi1>, vector<16xi32>
      %swap3A = arith.constant 0 : index
      %swap3A_36 = tpu.vector_load %arg8[%swap3A] {strides = array<i32>} : memref<80xi32, #tpu.memory_space<vmem>>, vector<16xi32>,
      %swap3A_37 = vector.shape_cast %swap3A_36 : vector<16xi32> to vector<16xi32>
      %swap3A_38 = vector.shape_cast %select_n3A : vector<16xi32> to vector<16xi32>
      tpu.vector_store %arg8[%swap3A], %swap3A_38 {strides = array<i32>} : memref<80xi32, #tpu.memory_space<vmem>>, vector<16xi32>,
      %get3A_39 = arith.constant 16 : index
      %get3A_40 = tpu.vector_load %arg6[%get3A_39] {strides = array<i32>} : memref<80xi32, #tpu.memory_space<vmem>>, vector<16xi32>,
      %get3A_41 = vector.shape_cast %get3A_40 : vector<16xi32> to vector<16xi32>
      %get3A_42 = arith.constant 16 : index
      %get3A_43 = tpu.vector_load %arg7[%get3A_42] {strides = array<i32>} : memref<80xi32, #tpu.memory_space<vmem>>, vector<16xi32>,
      %get3A_44 = vector.shape_cast %get3A_43 : vector<16xi32> to vector<16xi32>
      %eq3A_45 = arith.cmpi eq, %get3A_41, %get3A_44 : vector<16xi32>
      %broadcast_in_dim3A_46 = arith.constant 10000 : i32
      %broadcast_in_dim3A_47 = vector.broadcast %broadcast_in_dim3A_46 : i32 to vector<16xi32>
      %select_n3A_48 = arith.select %eq3A_45, %broadcast_in_dim3A_47, %get3A_44 : vector<16xi1>, vector<16xi32>
      %swap3A_49 = arith.constant 16 : index
      %swap3A_50 = tpu.vector_load %arg8[%swap3A_49] {strides = array<i32>} : memref<80xi32, #tpu.memory_space<vmem>>, vector<16xi32>,
      %swap3A_51 = vector.shape_cast %swap3A_50 : vector<16xi32> to vector<16xi32>
      %swap3A_52 = vector.shape_cast %select_n3A_48 : vector<16xi32> to vector<16xi32>
      tpu.vector_store %arg8[%swap3A_49], %swap3A_52 {strides = array<i32>} : memref<80xi32, #tpu.memory_space<vmem>>, vector<16xi32>,
      %get3A_53 = arith.constant 32 : index
      %get3A_54 = tpu.vector_load %arg6[%get3A_53] {strides = array<i32>} : memref<80xi32, #tpu.memory_space<vmem>>, vector<16xi32>,
      %get3A_55 = vector.shape_cast %get3A_54 : vector<16xi32> to vector<16xi32>
      %get3A_56 = arith.constant 32 : index
      %get3A_57 = tpu.vector_load %arg7[%get3A_56] {strides = array<i32>} : memref<80xi32, #tpu.memory_space<vmem>>, vector<16xi32>,
      %get3A_58 = vector.shape_cast %get3A_57 : vector<16xi32> to vector<16xi32>
      %eq3A_59 = arith.cmpi eq, %get3A_55, %get3A_58 : vector<16xi32>
      %broadcast_in_dim3A_60 = arith.constant 10000 : i32
      %broadcast_in_dim3A_61 = vector.broadcast %broadcast_in_dim3A_60 : i32 to vector<16xi32>
      %select_n3A_62 = arith.select %eq3A_59, %broadcast_in_dim3A_61, %get3A_58 : vector<16xi1>, vector<16xi32>
      %swap3A_63 = arith.constant 32 : index
      %swap3A_64 = tpu.vector_load %arg8[%swap3A_63] {strides = array<i32>} : memref<80xi32, #tpu.memory_space<vmem>>, vector<16xi32>,
      %swap3A_65 = vector.shape_cast %swap3A_64 : vector<16xi32> to vector<16xi32>
      %swap3A_66 = vector.shape_cast %select_n3A_62 : vector<16xi32> to vector<16xi32>
      tpu.vector_store %arg8[%swap3A_63], %swap3A_66 {strides = array<i32>} : memref<80xi32, #tpu.memory_space<vmem>>, vector<16xi32>,
      %get3A_67 = arith.constant 48 : index
      %get3A_68 = tpu.vector_load %arg6[%get3A_67] {strides = array<i32>} : memref<80xi32, #tpu.memory_space<vmem>>, vector<16xi32>,
      %get3A_69 = vector.shape_cast %get3A_68 : vector<16xi32> to vector<16xi32>
      %get3A_70 = arith.constant 48 : index
      %get3A_71 = tpu.vector_load %arg7[%get3A_70] {strides = array<i32>} : memref<80xi32, #tpu.memory_space<vmem>>, vector<16xi32>,
      %get3A_72 = vector.shape_cast %get3A_71 : vector<16xi32> to vector<16xi32>
      %eq3A_73 = arith.cmpi eq, %get3A_69, %get3A_72 : vector<16xi32>
      %broadcast_in_dim3A_74 = arith.constant 10000 : i32
      %broadcast_in_dim3A_75 = vector.broadcast %broadcast_in_dim3A_74 : i32 to vector<16xi32>
      %select_n3A_76 = arith.select %eq3A_73, %broadcast_in_dim3A_75, %get3A_72 : vector<16xi1>, vector<16xi32>
      %swap3A_77 = arith.constant 48 : index
      %swap3A_78 = tpu.vector_load %arg8[%swap3A_77] {strides = array<i32>} : memref<80xi32, #tpu.memory_space<vmem>>, vector<16xi32>,
      %swap3A_79 = vector.shape_cast %swap3A_78 : vector<16xi32> to vector<16xi32>
      %swap3A_80 = vector.shape_cast %select_n3A_76 : vector<16xi32> to vector<16xi32>
      tpu.vector_store %arg8[%swap3A_77], %swap3A_80 {strides = array<i32>} : memref<80xi32, #tpu.memory_space<vmem>>, vector<16xi32>,
      %get3A_81 = arith.constant 64 : index
      %get3A_82 = tpu.vector_load %arg6[%get3A_81] {strides = array<i32>} : memref<80xi32, #tpu.memory_space<vmem>>, vector<16xi32>,
      %get3A_83 = vector.shape_cast %get3A_82 : vector<16xi32> to vector<16xi32>
      %get3A_84 = arith.constant 64 : index
      %get3A_85 = tpu.vector_load %arg7[%get3A_84] {strides = array<i32>} : memref<80xi32, #tpu.memory_space<vmem>>, vector<16xi32>,
      %get3A_86 = vector.shape_cast %get3A_85 : vector<16xi32> to vector<16xi32>
      %eq3A_87 = arith.cmpi eq, %get3A_83, %get3A_86 : vector<16xi32>
      %broadcast_in_dim3A_88 = arith.constant 10000 : i32
      %broadcast_in_dim3A_89 = vector.broadcast %broadcast_in_dim3A_88 : i32 to vector<16xi32>
      %select_n3A_90 = arith.select %eq3A_87, %broadcast_in_dim3A_89, %get3A_86 : vector<16xi1>, vector<16xi32>
      %swap3A_91 = arith.constant 64 : index
      %swap3A_92 = tpu.vector_load %arg8[%swap3A_91] {strides = array<i32>} : memref<80xi32, #tpu.memory_space<vmem>>, vector<16xi32>,
      %swap3A_93 = vector.shape_cast %swap3A_92 : vector<16xi32> to vector<16xi32>
      %swap3A_94 = vector.shape_cast %select_n3A_90 : vector<16xi32> to vector<16xi32>
      tpu.vector_store %arg8[%swap3A_91], %swap3A_94 {strides = array<i32>} : memref<80xi32, #tpu.memory_space<vmem>>, vector<16xi32>,
      "tpu.region"() ({
        %run_scoped3A = tpu.sem_alloc : memref<!tpu.dma_semaphore, #tpu.memory_space<semaphore_mem>>
        %dma_start3A = arith.constant 0 : i32
        %dma_start3A_96 = tpu.memref_slice %arg10[%dma_start3A] : memref<10240xf32, #tpu.memory_space<vmem_shared>> -> memref<10240xf32, #tpu.memory_space<vmem_shared>>
        tpu.enqueue_indirect_dma source(%arg9 : memref<80xf32, #tpu.memory_space<vmem>>) target(%dma_start3A_96 : memref<10240xf32, #tpu.memory_space<vmem_shared>>) offsets(%arg8 : memref<80xi32, #tpu.memory_space<vmem>>) semaphore(%run_scoped3A : memref<!tpu.dma_semaphore, #tpu.memory_space<semaphore_mem>>) {add = true}
        %dma_wait3A = arith.constant 0 : i32
        %dma_wait3A_97 = tpu.memref_slice %arg10[%dma_wait3A] : memref<10240xf32, #tpu.memory_space<vmem_shared>> -> memref<10240xf32, #tpu.memory_space<vmem_shared>>
        tpu.wait_indirect_dma semaphore(%run_scoped3A : memref<!tpu.dma_semaphore, #tpu.memory_space<semaphore_mem>>) src(%arg9 : memref<80xf32, #tpu.memory_space<vmem>>) dst(%dma_wait3A_97 : memref<10240xf32, #tpu.memory_space<vmem_shared>>)
        tpu.yield
      }) : () -> ()
      %scan3A_95 = arith.constant 0 : i32
      scf.yield %scan3A_95 : i32
    }
    %scan3A_17 = arith.constant 125 : i32
    %barrier3A_18 = arith.constant 0 : index
    tpu.barrier barrier_id(%barrier3A_18)
    %mul3A_19 = arith.constant 640 : i32
    %mul3A_20 = arith.muli %arg1, %mul3A_19 : i32
    %mul3A_21 = arith.constant 640 : i32
    %mul3A_22 = arith.muli %arg1, %mul3A_21 : i32
    "tpu.region"() ({
      %run_scoped3A = tpu.sem_alloc : memref<!tpu.dma_semaphore, #tpu.memory_space<semaphore_mem>>
      %dma_start3A = tpu.memref_slice %arg5[%arg0, %mul3A_22] : memref<2x10240xf32, #tpu.memory_space<hbm>> -> memref<1x640xf32, #tpu.memory_space<hbm>>
      %dma_start3A_23 = tpu.memref_squeeze %dma_start3A : memref<1x640xf32, #tpu.memory_space<hbm>> -> memref<640xf32, #tpu.memory_space<hbm>>
      %dma_start3A_24 = tpu.memref_slice %arg10[%mul3A_20] : memref<10240xf32, #tpu.memory_space<vmem_shared>> -> memref<640xf32, #tpu.memory_space<vmem_shared>>
      tpu.enqueue_dma source(%dma_start3A_24 : memref<640xf32, #tpu.memory_space<vmem_shared>>) target(%dma_start3A_23 : memref<640xf32, #tpu.memory_space<hbm>>) target_semaphore(%run_scoped3A : memref<!tpu.dma_semaphore, #tpu.memory_space<semaphore_mem>>)
      %dma_wait3A = tpu.memref_slice %arg5[%arg0, %mul3A_22] : memref<2x10240xf32, #tpu.memory_space<hbm>> -> memref<1x640xf32, #tpu.memory_space<hbm>>
      %dma_wait3A_25 = tpu.memref_squeeze %dma_wait3A : memref<1x640xf32, #tpu.memory_space<hbm>> -> memref<640xf32, #tpu.memory_space<hbm>>
      %dma_wait3A_26 = tpu.memref_slice %arg10[%mul3A_20] : memref<10240xf32, #tpu.memory_space<vmem_shared>> -> memref<640xf32, #tpu.memory_space<vmem_shared>>
      tpu.wait_dma2 semaphore(%run_scoped3A : memref<!tpu.dma_semaphore, #tpu.memory_space<semaphore_mem>>) src(%dma_wait3A_26 : memref<640xf32, #tpu.memory_space<vmem_shared>>) dst(%dma_wait3A_25 : memref<640xf32, #tpu.memory_space<hbm>>)
      tpu.yield
    }) : () -> ()
    return
  }
}

module attributes {stable_mosaic.version = 14 : i64} {
  func.func @_tc1_body(%arg0: memref<10000x128xf32, #tpu.memory_space<vmem>>, %arg1: memref<128x128xf32, #tpu.memory_space<vmem>>, %arg2: memref<10000x1xf32, #tpu.memory_space<vmem>>, %arg3: memref<10000x1xf32, #tpu.memory_space<vmem>>, %arg4: memref<10000x128xf32, #tpu.memory_space<vmem>>, %arg5: memref<10000x1xf32, #tpu.memory_space<vmem>>) attributes {dimension_semantics = [], scalar_prefetch = 0 : i64, scratch_operands = 0 : i64, tpu.core_type = #tpu.core_type<tc>} {
    %get3A = arith.constant 0 : index
    %get3A_0 = arith.constant 0 : index
    %get3A_1 = vector.load %arg2[%get3A, %get3A_0] : memref<10000x1xf32, #tpu.memory_space<vmem>>, vector<10000x1xf32>
    %get3A_2 = arith.constant 0 : index
    %get3A_3 = arith.constant 0 : index
    %get3A_4 = vector.load %arg3[%get3A_2, %get3A_3] : memref<10000x1xf32, #tpu.memory_space<vmem>>, vector<10000x1xf32>
    %add3A = arith.addf %get3A_1, %get3A_4 : vector<10000x1xf32>
    %add3A_5 = arith.constant 1.000000e+00 : f32
    %add3A_6 = vector.broadcast %add3A_5 : f32 to vector<10000x1xf32>
    %add3A_7 = arith.addf %add3A, %add3A_6 : vector<10000x1xf32>
    %rsqrt3A = math.rsqrt %add3A_7 : vector<10000x1xf32>
    %get3A_8 = arith.constant 0 : index
    %get3A_9 = arith.constant 0 : index
    %get3A_10 = vector.load %arg0[%get3A_8, %get3A_9] : memref<10000x128xf32, #tpu.memory_space<vmem>>, vector<10000x128xf32>
    %get3A_11 = arith.constant 0 : index
    %get3A_12 = arith.constant 0 : index
    %get3A_13 = vector.load %arg1[%get3A_11, %get3A_12] : memref<128x128xf32, #tpu.memory_space<vmem>>, vector<128x128xf32>
    %dot_general3A = arith.constant dense<0.000000e+00> : vector<10000x128xf32>
    %dot_general3A_14 = tpu.matmul %get3A_10, %get3A_13, %dot_general3A {dimension_numbers = #tpu.dot_dimension_numbers<[1], [1], [0], [0], [0, 0, 1, 0], [], []>, transpose_lhs_hint = false} : vector<10000x128xf32>, vector<128x128xf32>, vector<10000x128xf32> -> vector<10000x128xf32>
    %mul3A = vector.broadcast %rsqrt3A : vector<10000x1xf32> to vector<10000x128xf32>
    %mul3A_15 = arith.mulf %dot_general3A_14, %mul3A : vector<10000x128xf32>
    %swap3A = arith.constant 0 : index
    %swap3A_16 = arith.constant 0 : index
    %swap3A_17 = vector.load %arg4[%swap3A, %swap3A_16] : memref<10000x128xf32, #tpu.memory_space<vmem>>, vector<10000x128xf32>
    tpu.vector_store %arg4[%swap3A, %swap3A_16], %mul3A_15 {strides = array<i32>} : memref<10000x128xf32, #tpu.memory_space<vmem>>, vector<10000x128xf32>,
    %swap3A_18 = arith.constant 0 : index
    %swap3A_19 = arith.constant 0 : index
    %swap3A_20 = vector.load %arg5[%swap3A_18, %swap3A_19] : memref<10000x1xf32, #tpu.memory_space<vmem>>, vector<10000x1xf32>
    tpu.vector_store %arg5[%swap3A_18, %swap3A_19], %rsqrt3A {strides = array<i32>} : memref<10000x1xf32, #tpu.memory_space<vmem>>, vector<10000x1xf32>,
    return
  }
}

module attributes {stable_mosaic.version = 14 : i64} {
  func.func @_tc2_body(%arg0: memref<10000x128xf32, #tpu.memory_space<vmem>>, %arg1: memref<10000x128xf32, #tpu.memory_space<vmem>>, %arg2: memref<10000x128xf32, #tpu.memory_space<vmem>>, %arg3: memref<10000x1xf32, #tpu.memory_space<vmem>>, %arg4: memref<1x128xf32, #tpu.memory_space<vmem>>, %arg5: memref<1x128xf32, #tpu.memory_space<vmem>>, %arg6: memref<1x128xf32, #tpu.memory_space<vmem>>, %arg7: memref<10000x128xf32, #tpu.memory_space<vmem>>) attributes {dimension_semantics = [], scalar_prefetch = 0 : i64, scratch_operands = 0 : i64, tpu.core_type = #tpu.core_type<tc>} {
    %get3A = arith.constant 0 : index
    %get3A_0 = arith.constant 0 : index
    %get3A_1 = vector.load %arg0[%get3A, %get3A_0] : memref<10000x128xf32, #tpu.memory_space<vmem>>, vector<10000x128xf32>
    %get3A_2 = arith.constant 0 : index
    %get3A_3 = arith.constant 0 : index
    %get3A_4 = vector.load %arg1[%get3A_2, %get3A_3] : memref<10000x128xf32, #tpu.memory_space<vmem>>, vector<10000x128xf32>
    %add3A = arith.addf %get3A_1, %get3A_4 : vector<10000x128xf32>
    %get3A_5 = arith.constant 0 : index
    %get3A_6 = arith.constant 0 : index
    %get3A_7 = vector.load %arg2[%get3A_5, %get3A_6] : memref<10000x128xf32, #tpu.memory_space<vmem>>, vector<10000x128xf32>
    %add3A_8 = arith.addf %add3A, %get3A_7 : vector<10000x128xf32>
    %get3A_9 = arith.constant 0 : index
    %get3A_10 = arith.constant 0 : index
    %get3A_11 = vector.load %arg3[%get3A_9, %get3A_10] : memref<10000x1xf32, #tpu.memory_space<vmem>>, vector<10000x1xf32>
    %mul3A = vector.broadcast %get3A_11 : vector<10000x1xf32> to vector<10000x128xf32>
    %mul3A_12 = arith.mulf %add3A_8, %mul3A : vector<10000x128xf32>
    %get3A_13 = arith.constant 0 : index
    %get3A_14 = arith.constant 0 : index
    %get3A_15 = vector.load %arg4[%get3A_13, %get3A_14] : memref<1x128xf32, #tpu.memory_space<vmem>>, vector<1x128xf32>
    %add3A_16 = vector.broadcast %get3A_15 : vector<1x128xf32> to vector<10000x128xf32>
    %add3A_17 = arith.addf %mul3A_12, %add3A_16 : vector<10000x128xf32>
    %reduce_sum3A = arith.constant dense<0.000000e+00> : vector<128xf32>
    %reduce_sum3A_18 = vector.multi_reduction <add>, %add3A_17, %reduce_sum3A [0] : vector<10000x128xf32> to vector<128xf32>
    %broadcast_in_dim3A = vector.shape_cast %reduce_sum3A_18 : vector<128xf32> to vector<1x128xf32>
    %div3A = arith.constant 1.000000e+04 : f32
    %div3A_19 = vector.broadcast %div3A : f32 to vector<1x128xf32>
    %div3A_20 = arith.divf %broadcast_in_dim3A, %div3A_19 : vector<1x128xf32>
    %sub3A = vector.broadcast %div3A_20 : vector<1x128xf32> to vector<10000x128xf32>
    %sub3A_21 = arith.subf %add3A_17, %sub3A : vector<10000x128xf32>
    %integer_pow3A = arith.mulf %sub3A_21, %sub3A_21 : vector<10000x128xf32>
    %reduce_sum3A_22 = arith.constant dense<0.000000e+00> : vector<128xf32>
    %reduce_sum3A_23 = vector.multi_reduction <add>, %integer_pow3A, %reduce_sum3A_22 [0] : vector<10000x128xf32> to vector<128xf32>
    %broadcast_in_dim3A_24 = vector.shape_cast %reduce_sum3A_23 : vector<128xf32> to vector<1x128xf32>
    %div3A_25 = arith.constant 1.000000e+04 : f32
    %div3A_26 = vector.broadcast %div3A_25 : f32 to vector<1x128xf32>
    %div3A_27 = arith.divf %broadcast_in_dim3A_24, %div3A_26 : vector<1x128xf32>
    %sub3A_28 = vector.broadcast %div3A_20 : vector<1x128xf32> to vector<10000x128xf32>
    %sub3A_29 = arith.subf %add3A_17, %sub3A_28 : vector<10000x128xf32>
    %add3A_30 = arith.constant 9.99999974E-6 : f32
    %add3A_31 = vector.broadcast %add3A_30 : f32 to vector<1x128xf32>
    %add3A_32 = arith.addf %div3A_27, %add3A_31 : vector<1x128xf32>
    %rsqrt3A = math.rsqrt %add3A_32 : vector<1x128xf32>
    %mul3A_33 = vector.broadcast %rsqrt3A : vector<1x128xf32> to vector<10000x128xf32>
    %mul3A_34 = arith.mulf %sub3A_29, %mul3A_33 : vector<10000x128xf32>
    %get3A_35 = arith.constant 0 : index
    %get3A_36 = arith.constant 0 : index
    %get3A_37 = vector.load %arg5[%get3A_35, %get3A_36] : memref<1x128xf32, #tpu.memory_space<vmem>>, vector<1x128xf32>
    %mul3A_38 = vector.broadcast %get3A_37 : vector<1x128xf32> to vector<10000x128xf32>
    %mul3A_39 = arith.mulf %mul3A_34, %mul3A_38 : vector<10000x128xf32>
    %get3A_40 = arith.constant 0 : index
    %get3A_41 = arith.constant 0 : index
    %get3A_42 = vector.load %arg6[%get3A_40, %get3A_41] : memref<1x128xf32, #tpu.memory_space<vmem>>, vector<1x128xf32>
    %add3A_43 = vector.broadcast %get3A_42 : vector<1x128xf32> to vector<10000x128xf32>
    %add3A_44 = arith.addf %mul3A_39, %add3A_43 : vector<10000x128xf32>
    %max3A = arith.constant 0.000000e+00 : f32
    %max3A_45 = vector.broadcast %max3A : f32 to vector<10000x128xf32>
    %max3A_46 = arith.maximumf %add3A_44, %max3A_45 : vector<10000x128xf32>
    %swap3A = arith.constant 0 : index
    %swap3A_47 = arith.constant 0 : index
    %swap3A_48 = vector.load %arg7[%swap3A, %swap3A_47] : memref<10000x128xf32, #tpu.memory_space<vmem>>, vector<10000x128xf32>
    tpu.vector_store %arg7[%swap3A, %swap3A_47], %max3A_46 {strides = array<i32>} : memref<10000x128xf32, #tpu.memory_space<vmem>>, vector<10000x128xf32>,
    return
  }
}

</mosaic_0001>

<sc_bundles>
// kernel: kernel.6.cloned.1.call-start
scs
__scs_entry_jumppad:
0x0: {  	(pc) =	sbr.rel $0x88, $3  }
0x1: {  	(tag) =	ssettag $0x0;
	lr =	simm.s32 $0x1  }
0x2: {  	[smem:$0x3F9B] =	sst lr;
	_ =	strace $0xD0000000  }
0x3: {  	_ = 	snop  }
0x4: {  	_ = 	snop  }
0x5: {  	_ = 	snop  }
0x6: {  	_ = 	snop  }
0x7: {  	_ = 	snop  }
__scs_overlays_trampoline_lowered:
0x8: {  	[smem:$0x3FAA] =	sst s0  }
0x9: {  	[smem:$0x3FAB] =	sst s1  }
0xa: {  	[smem:$0x3FAC] =	sst s2  }
0xb: {  	[smem:$0x3FAD] =	sst s3  }
0xc: {  	[smem:$0x3FAE] =	sst s4  }
0xd: {  	[smem:$0x3FAF] =	sst s5  }
0xe: {  	[smem:$0x3FB0] =	sst s6  }
0xf: {  	[smem:$0x3FB1] =	sst s7  }
0x10: {  	[smem:$0x3FB2] =	sst s8  }
0x11: {  	[smem:$0x3FB3] =	sst s9;
	s0 =	simm.s32 @!p0 $0x0  }
0x12: {  	s1 =	sld [smem:$0x3F99];
	s0 =	simm.s32 @p0 $0x1  }
0x13: {  	[smem:$0x3FB4] =	sst s0;
	s0 =	simm.s32 @!p1 $0x0  }
0x14: {  	s2 =	sld [smem:$0x3F98];
	s0 =	simm.s32 @p1 $0x1  }
0x15: {  	[smem:$0x3FB5] =	sst s0;
	s0 =	simm.s32 @!p2 $0x0  }
0x16: {  	s3 =	sld [smem:$0x3FDB];
	s0 =	simm.s32 @p2 $0x1  }
0x17: {  	s4 =	simm.s32 $0x1BF5;
	[smem:$0x3FB7] =	sst s0  }
0x18: {  	s0 =	sld [smem:$0x3F9A];
	_ =	swait.ge [sflag:s4], $0x0  }
0x19: {  	s7 =	sld [smem:$0x3F9B]  }
0x1a: {  	s8 =	sadd.s32 $0xFFFFE003, lr  }
0x1b: {  	s9 =	sadd.s32 $0xFFFFFEF7, lr;
	s5 =	simm.s32 $0xFFFFFFFF;
	p2 =	slt.u32 s8, $0xFFFFF086  }
0x1c: {  	p1 =	slt.u32 s9, $0xF7A;
	s5 =	simm.s32 @!p2 $0x0  }
0x1d: {  	s5 =	simm.s32 @p1 $0x1;
	p0 =	seq.s32 s7, s2  }
0x1e: {  	s7 =	smul.u32 @!p0 $0xF7A, s2;
	p2 =	seq.s32 @!p0 s5, $0x0  }
0x1f: {  	s9 =	smul.u32 $0xF7A, s1;
	s8 =	simm.s32 @!p0 $0x1BF5;
	p2 =	por !p2, p0  }
0x20: {  	[sflag:s8] =	ssyncset.s32 @!p0 $0xFFFFF086;
	s6 =	sadd.s32 @!p0 s3, s7;
	s7 =	simm.s32 @!p0 $0x108  }
0x21: {  	s3 =	sadd.s32 s3, s9;
	s6 =	sadd.s32 @!p0 $0x88, s6;
	s7 =	simm.s32 @p2 $0x1082  }
0x22: {  	[simem:s7], [sflag:s8] =	dma.local @!p0 [hbm:s6], $0xF7A  }
0x23: {  	s9 =	sor.u32 $0xD0000000, s2;
	s6 =	simm.s32 $0x108;
	_ =	swait.ge @!p0 [sflag:s8], $0x0  }
0x24: {  	s3 =	sadd.s32 $0x88, s3;
	s6 =	simm.s32 @!p1 $0x1082;
	[sflag:s4] =	ssyncset.s32 $0xFFFFF086  }
0x25: {  	[simem:s6], [sflag:s4] =	dma.local [hbm:s3], $0xF7A  }
0x26: {  	[smem:$0x3F9B] =	sst s1;
	(tag) =	ssettag s2;
	_ =	strace s9  }
0x27: {  	s1 =	sld [smem:$0x3FAB]  }
0x28: {  	s2 =	sld [smem:$0x3FAC]  }
0x29: {  	s4 =	sld [smem:$0x3FAE]  }
0x2a: {  	p0 =	seq.s32 s5, $0x0;
	s5 =	sld [smem:$0x3FAF]  }
0x2b: {  	s6 =	sld [smem:$0x3FB0]  }
0x2c: {  	s7 =	sld [smem:$0x3FB1]  }
0x2d: {  	s3 =	simm.s32 $0x108;
	s8 =	sld [smem:$0x3FB2]  }
0x2e: {  	s3 =	simm.s32 @!p0 $0x1082;
	s9 =	sld [smem:$0x3FB3]  }
0x2f: {  	lr =	sadd.s32 s0, s3;
	s0 =	sld [smem:$0x3FAA]  }
0x30: {  	s3 =	sld [smem:$0x3FAD]  }
0x31: {  	[smem:$0x3FB6] =	sst s10  }
0x32: {  	s10 =	sld [smem:$0x3FB4];
	_ =	sdelay $0x3  }
0x33: {  	p0 =	seq.s32 s10, $0x1;
	s10 =	sld [smem:$0x3FB6];
	_ =	sdelay $0x3  }
0x34: {  	[smem:$0x3FB6] =	sst s10  }
0x35: {  	s10 =	sld [smem:$0x3FB5];
	_ =	sdelay $0x3  }
0x36: {  	p1 =	seq.s32 s10, $0x1;
	s10 =	sld [smem:$0x3FB6];
	_ =	sdelay $0x3  }
0x37: {  	[smem:$0x3FB6] =	sst s10  }
0x38: {  	s10 =	sld [smem:$0x3FB7]  }
0x39: {  	_ = 	snop;
	(pc) =	sbr.ind lr, $3  }
0x3a: {  	_ = 	snop  }
0x3b: {  	_ = 	snop  }
0x3c: {  	p2 =	seq.s32 s10, $0x1;
	s10 =	sld [smem:$0x3FB6]  }
0x3d: {  	_ =	shalt  }
0x3e: {  	_ =	shalt  }
0x3f: {  	_ =	shalt  }
0x40: {  	_ =	shalt  }
0x41: {  	_ =	shalt  }
0x42: {  	_ =	shalt  }
0x43: {  	_ =	shalt  }
0x44: {  	_ =	shalt  }
0x45: {  	_ =	shalt  }
0x46: {  	_ =	shalt  }
0x47: {  	_ =	shalt  }
0x48: {  	_ =	shalt  }
0x49: {  	_ =	shalt  }
0x4a: {  	_ =	shalt  }
0x4b: {  	_ =	shalt  }
0x4c: {  	_ =	shalt  }
0x4d: {  	_ =	shalt  }
0x4e: {  	_ =	shalt  }
0x4f: {  	_ =	shalt  }
0x50: {  	_ =	shalt  }
0x51: {  	_ =	shalt  }
0x52: {  	_ =	shalt  }
0x53: {  	_ =	shalt  }
0x54: {  	_ =	shalt  }
0x55: {  	_ =	shalt  }
0x56: {  	_ =	shalt  }
0x57: {  	_ =	shalt  }
0x58: {  	_ =	shalt  }
0x59: {  	_ =	shalt  }
0x5a: {  	_ =	shalt  }
0x5b: {  	_ =	shalt  }
0x5c: {  	_ =	shalt  }
0x5d: {  	_ =	shalt  }
0x5e: {  	_ =	shalt  }
0x5f: {  	_ =	shalt  }
0x60: {  	_ =	shalt  }
0x61: {  	_ =	shalt  }
0x62: {  	_ =	shalt  }
0x63: {  	_ =	shalt  }
0x64: {  	_ =	shalt  }
0x65: {  	_ =	shalt  }
0x66: {  	_ =	shalt  }
0x67: {  	_ =	shalt  }
0x68: {  	_ =	shalt  }
0x69: {  	_ =	shalt  }
0x6a: {  	_ =	shalt  }
0x6b: {  	_ =	shalt  }
0x6c: {  	_ =	shalt  }
0x6d: {  	_ =	shalt  }
0x6e: {  	_ =	shalt  }
0x6f: {  	_ =	shalt  }
0x70: {  	_ =	shalt  }
0x71: {  	_ =	shalt  }
0x72: {  	_ =	shalt  }
0x73: {  	_ =	shalt  }
0x74: {  	_ =	shalt  }
0x75: {  	_ =	shalt  }
0x76: {  	_ =	shalt  }
0x77: {  	_ =	shalt  }
0x78: {  	_ =	shalt  }
0x79: {  	_ =	shalt  }
0x7a: {  	_ =	shalt  }
0x7b: {  	_ =	shalt  }
0x7c: {  	_ =	shalt  }
0x7d: {  	_ =	shalt  }
0x7e: {  	_ =	shalt  }
0x7f: {  	_ =	shalt  }
0x80: {  	_ =	shalt  }
0x81: {  	_ =	shalt  }
0x82: {  	_ =	shalt  }
0x83: {  	_ =	shalt  }
0x84: {  	_ =	shalt  }
0x85: {  	_ =	shalt  }
0x86: {  	_ =	shalt  }
0x87: {  	_ =	shalt  }
.Lfunc_end0:
.L_simem_size_0:
called_computation_lowered:
.L_overlay_start_0:
0x88: {  	s2 =	sld [smem:$0x3FD9]  }
0x89: {  	s3 =	sld [smem:$0x3FFE];
	_ =	sdelay $0x1  }
0x8a: {  	s1 =	srdreg.scid  }
0x8b: {  	s0 =	sand.u32 $0x1, s1  }
0x8c: {  	s17 =	sshll.u32 s0, $0xA;
	s2 =	sadd.s32 s3, s2  }
0x8d: {  	s2 =	sadd.s32 s2, s17  }
0x8e: {  	[smem:$0x3FC2] =	sst s2  }
0x8f: {  	_ = 	snop  }
0x90: {  	s2 =	sld [smem:$0x3FD0];
	(tm) =	ssettm $0x1  }
0x91: {  	s18 =	sld [smem:$0x3FFB];
	_ =	sdelay $0x3  }
0x92: {  	_ =	strace s18  }
0x93: {  	s3 =	sld [smem:$0x3FFC];
	_ =	sdelay $0x3  }
0x94: {  	_ =	strace s3  }
0x95: {  	s3 =	sld [smem:$0x3FFD];
	_ =	sdelay $0x3  }
0x96: {  	_ =	strace s3  }
0x97: {  	_ =	strace $0x8FFFFFFF  }
0x98: {  	s19 =	sld [smem:$0x3FDB];
	_ =	sdelay $0x1  }
0x99: {  	s4 =	simm.s32 $_scs_section_size  }
0x9a: {  	s5 =	simm.s32 $_size__tile_overlayer_lowered;
	s6 =	simm.s32 $_tile_overlayer_lowered  }
0x9b: {  	s22 =	simm.s32 $0x1BFF;
	s21 =	sshll.u32 s6, $0x1;
	s3 =	sadd.s32 s4, s19  }
0x9c: {  	s7 =	simm.s32 $0x0;
	s20 =	sshll.u32 s5, $0x1;
	s5 =	sadd.s32 s21, s3  }
0x9d: {  	[timem:s7], [sflag:s22] =	dma.local [hbm:s5], s20  }
0x9e: {  	_ =	swait.ge [sflag:s22], s20  }
0x9f: {  	s4 =	ssub.s32 $0x0, s20;
	[sflag:s22] =	ssyncset.done $0x0  }
0xa0: {  	[sflag:s22] =	ssyncadd.s32 s4;
	_ =	sdelay $0x1  }
0xa1: {  	s23 =	simm.s32 $0x1B8B  }
0xa2: {  	_ =	swait.ge [sflag:s23], $0x1  }
0xa3: {  	[sflag:s23] =	ssyncset.done $0x0  }
0xa4: {  	s25 =	simm.s32 $0x1B8E;
	s24 =	sld [smem:$0x3FFE];
	[sflag:s23] =	ssyncadd.s32 $0xFFFFFFFF  }
0xa5: {  	s26 =	simm.s32 $execute0_lowered;
	[smem:$0x3FD2] =	sst s25  }
0xa6: {  	s5 =	sshll.u32 s26, $0x1;
	_ =	strace $0x80000046;
	[dreg:$0x1] =	wrdreg $0xFFFFFFFF  }
0xa7: {  	s28 =	simm.s32 $_size_execute0_lowered;
	s3 =	sadd.s32 s3, s5;
	[dreg:$0x0] =	wrdreg $0x0  }
0xa8: {  	s5 =	sshll.u32 s28, $0x1;
	[dreg:$0x2] =	wrdreg s3  }
0xa9: {  	[dreg:$0x3] =	wrdreg s5  }
0xaa: {  	[dreg:$0x4] =	wrdreg $0xC0  }
0xab: {  	_ =	task [dreg:s7], $0x5FFFF  }
0xac: {  	[dreg:$0x1] =	wrdreg $0xFFFFFFFF  }
0xad: {  	[dreg:$0x0] =	wrdreg $0x60  }
0xae: {  	[dreg:$0x2] =	wrdreg s24  }
0xaf: {  	[dreg:$0x3] =	wrdreg s2  }
0xb0: {  	[dreg:$0x4] =	wrdreg $0x2000  }
0xb1: {  	[dreg:$0x5] =	wrdreg $0x9  }
0xb2: {  	_ =	task.clear_ibuf [dreg:s7], $0x6FFFF;
	_ =	strace $0x90000046  }
0xb3: {  	s29 =	simm.s32 $0x9;
	_ =	strace $0x80000048  }
0xb4: {  	_ =	swait.ge [sflag:s29], $0x1  }
0xb5: {  	[sflag:s29] =	ssyncadd.s32 $0xFFFFFFFF  }
0xb6: {  	_ =	strace $0x90000048  }
0xb7: {  	_ =	sfence  }
0xb8: {  	s30 =	sld [smem:$0x0];
	_ =	sdelay $0x2  }
0xb9: {  	s31 =	sshll.u32 s1, $0xD;
	s1 =	sshrl.u32 s1, $0x2  }
0xba: {  	s3 =	sand.u32 $0x4000, s31;
	s1 =	sadd.s32 s1, s30  }
0xbb: {  	s0 =	sor.u32 s3, s0;
	s1 =	sshll.u32 s1, $0x11  }
0xbc: {  	s0 =	sor.u32 s1, s0  }
0xbd: {  	s0 =	sadd.s32 $0x8F2B, s0  }
0xbe: {  	[sflag:s0] =	ssyncadd.remote.s32 $0x1  }
0xbf: {  	_ =	sfence.sel $0xFFFF  }
0xc0: {  	[dreg:$0x0] =	wrdreg $0xFFFFFFFF;
	(pc) =	sbr.abs _section_cstart, $3  }
0xc1: {  	[dreg:$0x1] =	wrdreg $0xFFFFFFFF  }
0xc2: {  	_ =	task.clear_ibuf [dreg:s7], $0x2FFFF;
	_ =	strace $0x9FFFFFFF  }
0xc3: {  	(tm) =	ssettm $0x7FFFFFFF  }
tec
execute0_lowered:
.L_overlay_start_1:
0x0: {  	(tag) =	ssettag $0x1  }
0x1: {  	s4 =	rddreg [dreg:$0x0]  }
0x2: {  	s1 =	srdreg.scid;
	s6 =	rddreg [dreg:$0x1]  }
0x3: {  	s0 =	stileid.u32;
	s2 =	rddreg [dreg:$0x2];
	s3 =	simm.s32 $0x0  }
0x4: {  	s13 =	simm.s32 $0x50;
	s14 =	simm.s32 $0x100;
	s15 =	simm.s32 $0x180  }
0x5: {  	s16 =	simm.s32 $0x20;
	s17 =	simm.s32 $0x10;
	s7 =	smul.u32 $0x4E20, s0  }
0x6: {  	s5 =	sand.u32 $0x1, s1;
	s1 =	rddreg [dreg:$0x3];
	s26 =	smul.u32 $0x280, s0  }
0x7: {  	s18 =	simm.s32 $0x0;
	[smem:$0x7FF] =	sst s3;
	s10 =	smul.u32 $0x500, s0  }
0x8: {  	s30 =	sshll.u32 s0, $0x6;
	s8 =	smul.u32 $0x2710, s5;
	_ =	strace $0x80000047  }
0x9: {  	s28 =	ssub.s32 $0x2, s5;
	s5 =	sshll.u32 s5, $0x7;
	s11 =	sshrl.u32 s26, $0x3  }
0xa: {  	s12 =	sshrl.u32 s28, $0x1;
	s5 =	sor.u32 s5, s10;
	s29 =	sadd.s32 s26, s2  }
0xb: {  	s7 =	sadd.s32 s8, s7;
	s31 =	sshrl.u32 s5, $0x3;
	s5 =	sor.u32 $0x1C01, s30  }
0xc: {  	s10 =	sshrl.u32 s29, $0x3;
	s7 =	sshrl.u32 s7, $0x3;
	s6 =	sadd.s32 s6, s31  }
0xd: {  	s9 =	sadd.s32 s7, s4;
	s4 =	sadd.s32 s11, s4;
	s7 =	ssub.s32 s28, s12  }
0xe: {  	s11 =	simm.s32 $0x1;
	s12 =	simm.s32 $0x80;
	s4 =	sadd.s32 $0x15600, s4  }
0xf: {  	v0 =	vimm.f32 $1.000000000e+00;
	s7 =	smax.u32 s7, $0x1;
	s8 =	sadd.s32 $0x1A00, s9;
	s9 =	sadd.s32 $0xB800, s9  }
.LBB2_1:
0x10: {  	[tilespmem:$0x180] =	vst v0  }
0x11: {  	[tilespmem:$0x190] =	vst v0  }
0x12: {  	[tilespmem:$0x1A0] =	vst v0  }
0x13: {  	[tilespmem:$0x1B0] =	vst v0  }
0x14: {  	[tilespmem:$0x1C0] =	vst v0  }
0x15: {  	[spmem:s10], [sflag:s5] =	dma.local [hbm:s4], $0x50  }
0x16: {  	_ =	swait.ge [sflag:s11], $0x50  }
0x17: {  	[sflag:s11] =	ssyncset.done $0x0  }
0x18: {  	[sflag:s11] =	ssyncadd.s32 $0xFFFFFFB0  }
0x19: {  	s19 =	sadd.s32 $0x0, s9;
	[bflag:$0x0] =	sbarrier.arrive $0xFFFF  }
0x1a: {  	[tilespmem:s3], [sflag:$0x1] =	stream.linear.gather [hbm4b:s19+s3], $0x50, $0x38;
	[tilespmem:$0x480] =	vst v63  }
0x1b: {  	_ =	swait.ge [sflag:s11], $0x50  }
0x1c: {  	[sflag:s11] =	ssyncset.done $0x0  }
0x1d: {  	s31 =	sadd.s32 $0x0, s8;
	[sflag:s11] =	ssyncadd.s32 $0xFFFFFFB0  }
0x1e: {  	[tilespmem:s12], [sflag:$0x1] =	stream.linear.gather [hbm4b:s31+s3], $0x50, $0x38;
	[tilespmem:$0x480] =	vst v63  }
0x1f: {  	_ =	swait.ge [sflag:s11], $0x50  }
0x20: {  	[sflag:s11] =	ssyncset.done $0x0  }
0x21: {  	[sflag:s11] =	ssyncadd.s32 $0xFFFFFFB0  }
0x22: {  	v1 =	vld [tilespmem:$0xA0]  }
0x23: {  	v2 =	vld [tilespmem:$0x20]  }
0x24: {  	v4 =	vld [tilespmem:$0x10]  }
0x25: {  	v5 =	vld [tilespmem:$0x90]  }
0x26: {  	v6 =	vld [tilespmem:$0x0]  }
0x27: {  	v3 =	vld [tilespmem:$0xB0]  }
0x28: {  	v8 =	vld [tilespmem:$0x80]  }
0x29: {  	v7 =	vld [tilespmem:$0x30]  }
0x2a: {  	vm0 =	veq.s32 v4, v5;
	v4 =	vld [tilespmem:$0xC0]  }
0x2b: {  	s19 =	simm.s32 $0xA;
	v9 =	vsel vm0, $0x2710, v5;
	v5 =	vld [tilespmem:$0x40]  }
.LBB2_2:
0x2c: {  	p0 =	sne.s32 s19, $0x4D8;
	s20 =	smov.u32 s19;
	s19 =	sadd.s32 $0xA, s19  }
0x2d: {  	vm0 =	veq.s32 v6, v8  }
0x2e: {  	v6 =	vsel vm0, $0x2710, v8;
	[tilespmem:$0x110] =	vst v9;
	vm0 =	veq.s32 v2, v1;
	vm1 =	veq.s32 v7, v3  }
0x2f: {  	[tilespmem:$0x100] =	vst v6;
	v1 =	vsel vm0, $0x2710, v1;
	v2 =	vsel vm1, $0x2710, v3  }
0x30: {  	[tilespmem:$0x120] =	vst v1;
	vm0 =	veq.s32 v5, v4  }
0x31: {  	[tilespmem:$0x130] =	vst v2;
	v1 =	vsel vm0, $0x2710, v4  }
0x32: {  	[tilespmem:$0x140] =	vst v1  }
0x33: {  	[spmem:s2] =	stream.indirect.scatter.add.f32 [tilespmem:s15], [sflag:$0x1], $0x1, s14, s13, $0xb8;
	[tilespmem:$0x480] =	vst v63  }
0x34: {  	_ =	swait.ge [sflag:s11], $0x50  }
0x35: {  	s21 =	sadd.s32 s20, s9;
	[sflag:s11] =	ssyncset.done $0x0  }
0x36: {  	[sflag:s11] =	ssyncadd.s32 $0xFFFFFFB0  }
0x37: {  	[tilespmem:s3], [sflag:$0x1] =	stream.linear.gather [hbm4b:s21+s3], $0x50, $0x38;
	[tilespmem:$0x480] =	vst v63  }
0x38: {  	_ =	swait.ge [sflag:s11], $0x50  }
0x39: {  	[sflag:s11] =	ssyncset.done $0x0  }
0x3a: {  	s20 =	sadd.s32 s20, s8;
	[sflag:s11] =	ssyncadd.s32 $0xFFFFFFB0  }
0x3b: {  	[tilespmem:s12], [sflag:$0x1] =	stream.linear.gather [hbm4b:s20+s3], $0x50, $0x38;
	[tilespmem:$0x480] =	vst v63  }
0x3c: {  	_ =	swait.ge [sflag:s11], $0x50  }
0x3d: {  	[sflag:s11] =	ssyncset.done $0x0  }
0x3e: {  	[sflag:s11] =	ssyncadd.s32 $0xFFFFFFB0  }
0x3f: {  	v1 =	vld [tilespmem:$0xA0]  }
0x40: {  	v2 =	vld [tilespmem:$0x20]  }
0x41: {  	v4 =	vld [tilespmem:$0x10]  }
0x42: {  	v5 =	vld [tilespmem:$0x90]  }
0x43: {  	v6 =	vld [tilespmem:$0x0]  }
.Ltmp0:
0x44: {  	v3 =	vld [tilespmem:$0xB0];
	(pc) =	sbr.rel @p0 .LBB2_2-.Ltmp0, $4  }
0x45: {  	v8 =	vld [tilespmem:$0x80]  }
0x46: {  	v7 =	vld [tilespmem:$0x30]  }
0x47: {  	vm0 =	veq.s32 v4, v5;
	v4 =	vld [tilespmem:$0xC0]  }
0x48: {  	v9 =	vsel vm0, $0x2710, v5;
	v5 =	vld [tilespmem:$0x40]  }
0x49: {  	_ = 	snop  }
0x4a: {  	vm14 =	veq.s32 v2, v1  }
0x4b: {  	[tilespmem:$0x110] =	vst v9;
	vm0 =	veq.s32 v6, v8;
	v1 =	vsel vm14, $0x2710, v1  }
0x4c: {  	v6 =	vsel vm0, $0x2710, v8;
	vm1 =	veq.s32 v7, v3;
	[tilespmem:$0x120] =	vst v1  }
0x4d: {  	[tilespmem:$0x100] =	vst v6;
	v2 =	vsel vm1, $0x2710, v3;
	vm15 =	veq.s32 v5, v4  }
0x4e: {  	[tilespmem:$0x130] =	vst v2;
	v1 =	vsel vm15, $0x2710, v4  }
0x4f: {  	[tilespmem:$0x140] =	vst v1  }
0x50: {  	[spmem:s2] =	stream.indirect.scatter.add.f32 [tilespmem:s15], [sflag:$0x1], $0x1, s14, s13, $0xb8;
	[tilespmem:$0x480] =	vst v63  }
0x51: {  	_ =	swait.ge [sflag:s11], $0x50  }
0x52: {  	s18 =	sadd.s32 $0x1, s18;
	[sflag:s11] =	ssyncset.done $0x0  }
0x53: {  	p0 =	sne.s32 s18, s7;
	[sflag:s11] =	ssyncadd.s32 $0xFFFFFFB0  }
.Ltmp1:
0x54: {  	[bflag:$0x0] =	sbarrier.arrive $0xFFFF;
	(pc) =	sbr.rel @p0 .LBB2_1-.Ltmp1, $4  }
0x55: {  	[hbm:s6@s16], [sflag:s5] =	dma.strided [spmem:s10@s17], $0x50, s11, $0x10   }
0x56: {  	_ =	swait.ge [sflag:s11], $0x50  }
0x57: {  	[sflag:s11] =	ssyncset.done $0x0  }
0x58: {  	[sflag:s11] =	ssyncadd.s32 $0xFFFFFFB0  }
0x59: {  	_ =	sfence.sel $0x180000  }
0x5a: {  	[bflag:$0x0] =	sbarrier.arrive $0xFFFF  }
0x5b: {  	p0 =	sne.s32 s0, $0x0;
	_ =	strace $0x90000047  }
0x5c: {  	s0 =	sadd.s32 @!p0 $0x100000, s1;
	[bflag:$0x2] =	sbarrier.arrive $0xFFFF  }
0x5d: {  	[sflag:s0] =	ssyncadd.tile.s32 @!p0 $0x1;
	_ =	shalt  }
.Lfunc_end2:
_tile_overlayer_lowered:
.L_overlay_start_2:
0x5e: {  	(tag) =	ssettag $0x2  }
0x5f: {  	s0 =	rddreg [dreg:$0x0];
	s2 =	stileid.u32  }
0x60: {  	s1 =	rddreg [dreg:$0x1];
	p0 =	sne.s32 s2, $0x0  }
0x61: {  	s3 =	rddreg [dreg:$0x2];
	[bflag:$0x3] =	sbarrier.arrive $0xFFFF;
	s2 =	simm.s32 @!p0 $0x1C01  }
0x62: {  	[timem:s3], [sflag:s2] =	dma.local @!p0 [hbm:s0], s1  }
0x63: {  	s0 =	simm.s32 @!p0 $0x1  }
0x64: {  	_ =	swait.ge @!p0 [sflag:s0], s1  }
0x65: {  	s1 =	ssub.s32 @!p0 $0x0, s1;
	[sflag:s0] =	ssyncset.done @!p0 $0x0  }
0x66: {  	[sflag:s0] =	ssyncadd.s32 @!p0 s1  }
0x67: {  	[bflag:$0x3] =	sbarrier.arrive $0xFFFF  }
0x68: {  	_ =	shalt  }

// kernel: kernel.9.cloned.1.call-start
scs
__scs_entry_jumppad:
0x0: {  	(pc) =	sbr.rel $0x88, $3  }
0x1: {  	(tag) =	ssettag $0x0;
	lr =	simm.s32 $0x1  }
0x2: {  	[smem:$0x3F9B] =	sst lr;
	_ =	strace $0xD0000000  }
0x3: {  	_ = 	snop  }
0x4: {  	_ = 	snop  }
0x5: {  	_ = 	snop  }
0x6: {  	_ = 	snop  }
0x7: {  	_ = 	snop  }
__scs_overlays_trampoline_lowered:
0x8: {  	[smem:$0x3FAA] =	sst s0  }
0x9: {  	[smem:$0x3FAB] =	sst s1  }
0xa: {  	[smem:$0x3FAC] =	sst s2  }
0xb: {  	[smem:$0x3FAD] =	sst s3  }
0xc: {  	[smem:$0x3FAE] =	sst s4  }
0xd: {  	[smem:$0x3FAF] =	sst s5  }
0xe: {  	[smem:$0x3FB0] =	sst s6  }
0xf: {  	[smem:$0x3FB1] =	sst s7  }
0x10: {  	[smem:$0x3FB2] =	sst s8  }
0x11: {  	[smem:$0x3FB3] =	sst s9;
	s0 =	simm.s32 @!p0 $0x0  }
0x12: {  	s1 =	sld [smem:$0x3F99];
	s0 =	simm.s32 @p0 $0x1  }
0x13: {  	[smem:$0x3FB4] =	sst s0;
	s0 =	simm.s32 @!p1 $0x0  }
0x14: {  	s2 =	sld [smem:$0x3F98];
	s0 =	simm.s32 @p1 $0x1  }
0x15: {  	[smem:$0x3FB5] =	sst s0;
	s0 =	simm.s32 @!p2 $0x0  }
0x16: {  	s3 =	sld [smem:$0x3FDB];
	s0 =	simm.s32 @p2 $0x1  }
0x17: {  	s4 =	simm.s32 $0x1BF5;
	[smem:$0x3FB7] =	sst s0  }
0x18: {  	s0 =	sld [smem:$0x3F9A];
	_ =	swait.ge [sflag:s4], $0x0  }
0x19: {  	s7 =	sld [smem:$0x3F9B]  }
0x1a: {  	s8 =	sadd.s32 $0xFFFFE003, lr  }
0x1b: {  	s9 =	sadd.s32 $0xFFFFFEF7, lr;
	s5 =	simm.s32 $0xFFFFFFFF;
	p2 =	slt.u32 s8, $0xFFFFF086  }
0x1c: {  	p1 =	slt.u32 s9, $0xF7A;
	s5 =	simm.s32 @!p2 $0x0  }
0x1d: {  	s5 =	simm.s32 @p1 $0x1;
	p0 =	seq.s32 s7, s2  }
0x1e: {  	s7 =	smul.u32 @!p0 $0xF7A, s2;
	p2 =	seq.s32 @!p0 s5, $0x0  }
0x1f: {  	s9 =	smul.u32 $0xF7A, s1;
	s8 =	simm.s32 @!p0 $0x1BF5;
	p2 =	por !p2, p0  }
0x20: {  	[sflag:s8] =	ssyncset.s32 @!p0 $0xFFFFF086;
	s6 =	sadd.s32 @!p0 s3, s7;
	s7 =	simm.s32 @!p0 $0x108  }
0x21: {  	s3 =	sadd.s32 s3, s9;
	s6 =	sadd.s32 @!p0 $0x88, s6;
	s7 =	simm.s32 @p2 $0x1082  }
0x22: {  	[simem:s7], [sflag:s8] =	dma.local @!p0 [hbm:s6], $0xF7A  }
0x23: {  	s9 =	sor.u32 $0xD0000000, s2;
	s6 =	simm.s32 $0x108;
	_ =	swait.ge @!p0 [sflag:s8], $0x0  }
0x24: {  	s3 =	sadd.s32 $0x88, s3;
	s6 =	simm.s32 @!p1 $0x1082;
	[sflag:s4] =	ssyncset.s32 $0xFFFFF086  }
0x25: {  	[simem:s6], [sflag:s4] =	dma.local [hbm:s3], $0xF7A  }
0x26: {  	[smem:$0x3F9B] =	sst s1;
	(tag) =	ssettag s2;
	_ =	strace s9  }
0x27: {  	s1 =	sld [smem:$0x3FAB]  }
0x28: {  	s2 =	sld [smem:$0x3FAC]  }
0x29: {  	s4 =	sld [smem:$0x3FAE]  }
0x2a: {  	p0 =	seq.s32 s5, $0x0;
	s5 =	sld [smem:$0x3FAF]  }
0x2b: {  	s6 =	sld [smem:$0x3FB0]  }
0x2c: {  	s7 =	sld [smem:$0x3FB1]  }
0x2d: {  	s3 =	simm.s32 $0x108;
	s8 =	sld [smem:$0x3FB2]  }
0x2e: {  	s3 =	simm.s32 @!p0 $0x1082;
	s9 =	sld [smem:$0x3FB3]  }
0x2f: {  	lr =	sadd.s32 s0, s3;
	s0 =	sld [smem:$0x3FAA]  }
0x30: {  	s3 =	sld [smem:$0x3FAD]  }
0x31: {  	[smem:$0x3FB6] =	sst s10  }
0x32: {  	s10 =	sld [smem:$0x3FB4];
	_ =	sdelay $0x3  }
0x33: {  	p0 =	seq.s32 s10, $0x1;
	s10 =	sld [smem:$0x3FB6];
	_ =	sdelay $0x3  }
0x34: {  	[smem:$0x3FB6] =	sst s10  }
0x35: {  	s10 =	sld [smem:$0x3FB5];
	_ =	sdelay $0x3  }
0x36: {  	p1 =	seq.s32 s10, $0x1;
	s10 =	sld [smem:$0x3FB6];
	_ =	sdelay $0x3  }
0x37: {  	[smem:$0x3FB6] =	sst s10  }
0x38: {  	s10 =	sld [smem:$0x3FB7]  }
0x39: {  	_ = 	snop;
	(pc) =	sbr.ind lr, $3  }
0x3a: {  	_ = 	snop  }
0x3b: {  	_ = 	snop  }
0x3c: {  	p2 =	seq.s32 s10, $0x1;
	s10 =	sld [smem:$0x3FB6]  }
0x3d: {  	_ =	shalt  }
0x3e: {  	_ =	shalt  }
0x3f: {  	_ =	shalt  }
0x40: {  	_ =	shalt  }
0x41: {  	_ =	shalt  }
0x42: {  	_ =	shalt  }
0x43: {  	_ =	shalt  }
0x44: {  	_ =	shalt  }
0x45: {  	_ =	shalt  }
0x46: {  	_ =	shalt  }
0x47: {  	_ =	shalt  }
0x48: {  	_ =	shalt  }
0x49: {  	_ =	shalt  }
0x4a: {  	_ =	shalt  }
0x4b: {  	_ =	shalt  }
0x4c: {  	_ =	shalt  }
0x4d: {  	_ =	shalt  }
0x4e: {  	_ =	shalt  }
0x4f: {  	_ =	shalt  }
0x50: {  	_ =	shalt  }
0x51: {  	_ =	shalt  }
0x52: {  	_ =	shalt  }
0x53: {  	_ =	shalt  }
0x54: {  	_ =	shalt  }
0x55: {  	_ =	shalt  }
0x56: {  	_ =	shalt  }
0x57: {  	_ =	shalt  }
0x58: {  	_ =	shalt  }
0x59: {  	_ =	shalt  }
0x5a: {  	_ =	shalt  }
0x5b: {  	_ =	shalt  }
0x5c: {  	_ =	shalt  }
0x5d: {  	_ =	shalt  }
0x5e: {  	_ =	shalt  }
0x5f: {  	_ =	shalt  }
0x60: {  	_ =	shalt  }
0x61: {  	_ =	shalt  }
0x62: {  	_ =	shalt  }
0x63: {  	_ =	shalt  }
0x64: {  	_ =	shalt  }
0x65: {  	_ =	shalt  }
0x66: {  	_ =	shalt  }
0x67: {  	_ =	shalt  }
0x68: {  	_ =	shalt  }
0x69: {  	_ =	shalt  }
0x6a: {  	_ =	shalt  }
0x6b: {  	_ =	shalt  }
0x6c: {  	_ =	shalt  }
0x6d: {  	_ =	shalt  }
0x6e: {  	_ =	shalt  }
0x6f: {  	_ =	shalt  }
0x70: {  	_ =	shalt  }
0x71: {  	_ =	shalt  }
0x72: {  	_ =	shalt  }
0x73: {  	_ =	shalt  }
0x74: {  	_ =	shalt  }
0x75: {  	_ =	shalt  }
0x76: {  	_ =	shalt  }
0x77: {  	_ =	shalt  }
0x78: {  	_ =	shalt  }
0x79: {  	_ =	shalt  }
0x7a: {  	_ =	shalt  }
0x7b: {  	_ =	shalt  }
0x7c: {  	_ =	shalt  }
0x7d: {  	_ =	shalt  }
0x7e: {  	_ =	shalt  }
0x7f: {  	_ =	shalt  }
0x80: {  	_ =	shalt  }
0x81: {  	_ =	shalt  }
0x82: {  	_ =	shalt  }
0x83: {  	_ =	shalt  }
0x84: {  	_ =	shalt  }
0x85: {  	_ =	shalt  }
0x86: {  	_ =	shalt  }
0x87: {  	_ =	shalt  }
.Lfunc_end0:
.L_simem_size_0:
called_computation.1_lowered:
.L_overlay_start_0:
0x88: {  	s2 =	sld [smem:$0x3FD9]  }
0x89: {  	s3 =	sld [smem:$0x3FFE];
	_ =	sdelay $0x1  }
0x8a: {  	s1 =	srdreg.scid  }
0x8b: {  	s0 =	sand.u32 $0x1, s1  }
0x8c: {  	s17 =	sshll.u32 s0, $0xA;
	s2 =	sadd.s32 s3, s2  }
0x8d: {  	s2 =	sadd.s32 s2, s17  }
0x8e: {  	[smem:$0x3FC2] =	sst s2  }
0x8f: {  	_ = 	snop  }
0x90: {  	s2 =	sld [smem:$0x3FD0];
	(tm) =	ssettm $0x1  }
0x91: {  	s18 =	sld [smem:$0x3FFB];
	_ =	sdelay $0x3  }
0x92: {  	_ =	strace s18  }
0x93: {  	s3 =	sld [smem:$0x3FFC];
	_ =	sdelay $0x3  }
0x94: {  	_ =	strace s3  }
0x95: {  	s3 =	sld [smem:$0x3FFD];
	_ =	sdelay $0x3  }
0x96: {  	_ =	strace s3  }
0x97: {  	_ =	strace $0x8FFFFFFF  }
0x98: {  	s19 =	sld [smem:$0x3FDB];
	_ =	sdelay $0x1  }
0x99: {  	s4 =	simm.s32 $_scs_section_size  }
0x9a: {  	s5 =	simm.s32 $_size__tile_overlayer_lowered;
	s6 =	simm.s32 $_tile_overlayer_lowered  }
0x9b: {  	s22 =	simm.s32 $0x1BFF;
	s21 =	sshll.u32 s6, $0x1;
	s3 =	sadd.s32 s4, s19  }
0x9c: {  	s7 =	simm.s32 $0x0;
	s20 =	sshll.u32 s5, $0x1;
	s5 =	sadd.s32 s21, s3  }
0x9d: {  	[timem:s7], [sflag:s22] =	dma.local [hbm:s5], s20  }
0x9e: {  	_ =	swait.ge [sflag:s22], s20  }
0x9f: {  	s4 =	ssub.s32 $0x0, s20;
	[sflag:s22] =	ssyncset.done $0x0  }
0xa0: {  	[sflag:s22] =	ssyncadd.s32 s4;
	_ =	sdelay $0x1  }
0xa1: {  	s23 =	simm.s32 $0x1B8B  }
0xa2: {  	_ =	swait.ge [sflag:s23], $0x1  }
0xa3: {  	[sflag:s23] =	ssyncset.done $0x0  }
0xa4: {  	s25 =	simm.s32 $0x1B8E;
	s24 =	sld [smem:$0x3FFE];
	[sflag:s23] =	ssyncadd.s32 $0xFFFFFFFF  }
0xa5: {  	s26 =	simm.s32 $execute0_lowered;
	[smem:$0x3FD2] =	sst s25  }
0xa6: {  	s5 =	sshll.u32 s26, $0x1;
	_ =	strace $0x80000049;
	[dreg:$0x1] =	wrdreg $0xFFFFFFFF  }
0xa7: {  	s28 =	simm.s32 $_size_execute0_lowered;
	s3 =	sadd.s32 s3, s5;
	[dreg:$0x0] =	wrdreg $0x0  }
0xa8: {  	s5 =	sshll.u32 s28, $0x1;
	[dreg:$0x2] =	wrdreg s3  }
0xa9: {  	[dreg:$0x3] =	wrdreg s5  }
0xaa: {  	[dreg:$0x4] =	wrdreg $0xC0  }
0xab: {  	_ =	task [dreg:s7], $0x5FFFF  }
0xac: {  	[dreg:$0x1] =	wrdreg $0xFFFFFFFF  }
0xad: {  	[dreg:$0x0] =	wrdreg $0x60  }
0xae: {  	[dreg:$0x2] =	wrdreg s24  }
0xaf: {  	[dreg:$0x3] =	wrdreg s2  }
0xb0: {  	[dreg:$0x4] =	wrdreg $0x29800  }
0xb1: {  	[dreg:$0x5] =	wrdreg $0x9  }
0xb2: {  	_ =	task.clear_ibuf [dreg:s7], $0x6FFFF;
	_ =	strace $0x90000049  }
0xb3: {  	s29 =	simm.s32 $0x9;
	_ =	strace $0x8000004B  }
0xb4: {  	_ =	swait.ge [sflag:s29], $0x1  }
0xb5: {  	[sflag:s29] =	ssyncadd.s32 $0xFFFFFFFF  }
0xb6: {  	_ =	strace $0x9000004B  }
0xb7: {  	_ =	sfence  }
0xb8: {  	s30 =	sld [smem:$0x0];
	_ =	sdelay $0x2  }
0xb9: {  	s31 =	sshll.u32 s1, $0xD;
	s1 =	sshrl.u32 s1, $0x2  }
0xba: {  	s3 =	sand.u32 $0x4000, s31;
	s1 =	sadd.s32 s1, s30  }
0xbb: {  	s0 =	sor.u32 s3, s0;
	s1 =	sshll.u32 s1, $0x11  }
0xbc: {  	s0 =	sor.u32 s1, s0  }
0xbd: {  	s0 =	sadd.s32 $0x8F2B, s0  }
0xbe: {  	[sflag:s0] =	ssyncadd.remote.s32 $0x1  }
0xbf: {  	_ =	sfence.sel $0xFFFF  }
0xc0: {  	[dreg:$0x0] =	wrdreg $0xFFFFFFFF;
	(pc) =	sbr.abs _section_cstart, $3  }
0xc1: {  	[dreg:$0x1] =	wrdreg $0xFFFFFFFF  }
0xc2: {  	_ =	task.clear_ibuf [dreg:s7], $0x2FFFF;
	_ =	strace $0x9FFFFFFF  }
0xc3: {  	(tm) =	ssettm $0x7FFFFFFF  }
tec
execute0_lowered:
.L_overlay_start_1:
0x0: {  	(tag) =	ssettag $0x1  }
0x1: {  	s5 =	rddreg [dreg:$0x0]  }
0x2: {  	s1 =	srdreg.scid;
	s2 =	rddreg [dreg:$0x1]  }
0x3: {  	s0 =	stileid.u32;
	s3 =	rddreg [dreg:$0x2];
	s4 =	simm.s32 $0x0  }
0x4: {  	s13 =	simm.s32 $0x80;
	s14 =	simm.s32 $0x50;
	s7 =	smul.u32 $0x4E20, s0  }
0x5: {  	s15 =	simm.s32 $0x180;
	s16 =	simm.s32 $0x100;
	s26 =	smul.u32 $0x14000, s0  }
0x6: {  	s6 =	sand.u32 $0x1, s1;
	s1 =	rddreg [dreg:$0x3];
	s29 =	smul.u32 $0x50000, s0  }
0x7: {  	s17 =	simm.s32 $0x0;
	[smem:$0x7FF] =	sst s4;
	s8 =	smul.u32 $0x2710, s6  }
0x8: {  	s31 =	sshll.u32 s0, $0x6;
	s9 =	smul.u32 $0x140000, s6;
	s6 =	ssub.s32 $0x2, s6  }
0x9: {  	_ =	strace $0x8000004A;
	s28 =	sshrl.u32 s26, $0x3;
	s11 =	sshrl.u32 s6, $0x1  }
0xa: {  	s30 =	sshrl.u32 s29, $0x2;
	s7 =	sadd.s32 s8, s7;
	s8 =	sadd.s32 s26, s9  }
0xb: {  	s11 =	ssub.s32 s6, s11;
	s12 =	sadd.s32 s30, s3;
	s7 =	sshrl.u32 s7, $0x3  }
0xc: {  	s8 =	sshrl.u32 s8, $0x3;
	s10 =	sadd.s32 s7, s5;
	s7 =	sadd.s32 s28, s5  }
0xd: {  	s6 =	sor.u32 $0x1C01, s31;
	s8 =	sadd.s32 s8, s5;
	s5 =	sadd.s32 $0x15600, s7  }
0xe: {  	s7 =	sadd.s32 $0x3D600, s8;
	s8 =	smax.u32 s11, $0x1;
	s9 =	sadd.s32 $0x1A00, s10  }
0xf: {  	s10 =	sadd.s32 $0xB800, s10;
	s11 =	sshrl.u32 s12, $0x3;
	s12 =	simm.s32 $0x1  }
.LBB2_1:
0x10: {  	[spmem:s11], [sflag:s6] =	dma.local [hbm:s5], $0x2800  }
0x11: {  	_ =	swait.ge [sflag:s12], $0x2800  }
0x12: {  	[sflag:s12] =	ssyncset.done $0x0  }
0x13: {  	[sflag:s12] =	ssyncadd.s32 $0xFFFFD800  }
0x14: {  	s18 =	sadd.s32 $0x0, s10;
	[bflag:$0x0] =	sbarrier.arrive $0xFFFF  }
0x15: {  	[tilespmem:s4], [sflag:$0x1] =	stream.linear.gather [hbm4b:s18+s4], $0x50, $0x38;
	[tilespmem:$0x16980] =	vst v63  }
0x16: {  	_ =	swait.ge [sflag:s12], $0x50  }
0x17: {  	[sflag:s12] =	ssyncset.done $0x0  }
0x18: {  	s31 =	sadd.s32 $0x0, s9;
	[sflag:s12] =	ssyncadd.s32 $0xFFFFFFB0  }
0x19: {  	[tilespmem:s13], [sflag:$0x1] =	stream.linear.gather [hbm4b:s31+s4], $0x50, $0x38;
	[tilespmem:$0x16980] =	vst v63  }
0x1a: {  	_ =	swait.ge [sflag:s12], $0x50  }
0x1b: {  	[sflag:s12] =	ssyncset.done $0x0  }
0x1c: {  	[sflag:s12] =	ssyncadd.s32 $0xFFFFFFB0  }
0x1d: {  	v2 =	vld [tilespmem:$0xB0]  }
0x1e: {  	v4 =	vld [tilespmem:$0x0]  }
0x1f: {  	v0 =	vld [tilespmem:$0xA0]  }
0x20: {  	v1 =	vld [tilespmem:$0x90]  }
0x21: {  	v5 =	vld [tilespmem:$0x80]  }
0x22: {  	v7 =	vld [tilespmem:$0x30]  }
0x23: {  	v3 =	vld [tilespmem:$0xC0]  }
0x24: {  	s18 =	simm.s32 $0xA;
	v6 =	vld [tilespmem:$0x40]  }
.LBB2_2:
0x25: {  	p0 =	sne.s32 s18, $0x4D8;
	v8 =	vld [tilespmem:$0x10];
	s19 =	smov.u32 s18;
	s18 =	sadd.s32 $0xA, s18  }
0x26: {  	v9 =	vld [tilespmem:$0x20]  }
0x27: {  	vm0 =	veq.s32 v4, v5;
	vm1 =	veq.s32 v7, v2  }
0x28: {  	v4 =	vsel vm0, $0x2710, v5;
	v2 =	vsel vm1, $0x2710, v2  }
0x29: {  	[tilespmem:$0x100] =	vst v4;
	vm0 =	veq.s32 v6, v3  }
0x2a: {  	vm1 =	veq.s32 v8, v1;
	[tilespmem:$0x130] =	vst v2;
	v2 =	vsel vm0, $0x2710, v3  }
0x2b: {  	v1 =	vsel vm1, $0x2710, v1;
	vm0 =	veq.s32 v9, v0;
	[tilespmem:$0x140] =	vst v2  }
0x2c: {  	[tilespmem:$0x110] =	vst v1;
	v0 =	vsel vm0, $0x2710, v0  }
0x2d: {  	[tilespmem:$0x120] =	vst v0  }
0x2e: {  	[tilespmem:s15], [sflag:$0x1] =	stream.indirect.gather [hbm4b:s2+s14], $0x80, s4, s14, $0xb8;
	[tilespmem:$0x16980] =	vst v63  }
0x2f: {  	_ =	swait.ge [sflag:s12], $0x2800  }
0x30: {  	[sflag:s12] =	ssyncset.done $0x0  }
0x31: {  	[sflag:s12] =	ssyncadd.s32 $0xFFFFD800  }
0x32: {  	[spmem:s3] =	stream.indirect.scatter.add.f32 [tilespmem:s15], [sflag:$0x1], $0x80, s16, s14, $0xb8;
	[tilespmem:$0x16980] =	vst v63  }
0x33: {  	_ =	swait.ge [sflag:s12], $0x2800  }
0x34: {  	[sflag:s12] =	ssyncset.done $0x0  }
0x35: {  	s20 =	sadd.s32 s19, s10;
	[sflag:s12] =	ssyncadd.s32 $0xFFFFD800  }
0x36: {  	[tilespmem:s4], [sflag:$0x1] =	stream.linear.gather [hbm4b:s20+s4], $0x50, $0x38;
	[tilespmem:$0x16980] =	vst v63  }
0x37: {  	_ =	swait.ge [sflag:s12], $0x50  }
0x38: {  	[sflag:s12] =	ssyncset.done $0x0  }
0x39: {  	s19 =	sadd.s32 s19, s9;
	[sflag:s12] =	ssyncadd.s32 $0xFFFFFFB0  }
0x3a: {  	[tilespmem:s13], [sflag:$0x1] =	stream.linear.gather [hbm4b:s19+s4], $0x50, $0x38;
	[tilespmem:$0x16980] =	vst v63  }
0x3b: {  	_ =	swait.ge [sflag:s12], $0x50  }
0x3c: {  	[sflag:s12] =	ssyncset.done $0x0  }
0x3d: {  	[sflag:s12] =	ssyncadd.s32 $0xFFFFFFB0  }
0x3e: {  	v2 =	vld [tilespmem:$0xB0]  }
0x3f: {  	v4 =	vld [tilespmem:$0x0]  }
0x40: {  	v0 =	vld [tilespmem:$0xA0]  }
.Ltmp0:
0x41: {  	v1 =	vld [tilespmem:$0x90];
	(pc) =	sbr.rel @p0 .LBB2_2-.Ltmp0, $4  }
0x42: {  	v5 =	vld [tilespmem:$0x80]  }
0x43: {  	v7 =	vld [tilespmem:$0x30]  }
0x44: {  	v3 =	vld [tilespmem:$0xC0]  }
0x45: {  	v6 =	vld [tilespmem:$0x40]  }
0x46: {  	v8 =	vld [tilespmem:$0x10]  }
0x47: {  	v9 =	vld [tilespmem:$0x20]  }
0x48: {  	vm0 =	veq.s32 v4, v5  }
0x49: {  	vm1 =	veq.s32 v7, v2;
	v4 =	vsel vm0, $0x2710, v5  }
0x4a: {  	v2 =	vsel vm1, $0x2710, v2;
	[tilespmem:$0x100] =	vst v4;
	vm13 =	veq.s32 v6, v3  }
0x4b: {  	[tilespmem:$0x130] =	vst v2;
	vm14 =	veq.s32 v8, v1;
	v63 =	vsel vm13, $0x2710, v3  }
0x4c: {  	vm15 =	veq.s32 v9, v0;
	v1 =	vsel vm14, $0x2710, v1;
	[tilespmem:$0x140] =	vst v63  }
0x4d: {  	v0 =	vsel vm15, $0x2710, v0;
	[tilespmem:$0x110] =	vst v1  }
0x4e: {  	[tilespmem:$0x120] =	vst v0  }
0x4f: {  	[tilespmem:s15], [sflag:$0x1] =	stream.indirect.gather [hbm4b:s2+s14], $0x80, s4, s14, $0xb8;
	[tilespmem:$0x16980] =	vst v63  }
0x50: {  	_ =	swait.ge [sflag:s12], $0x2800  }
0x51: {  	[sflag:s12] =	ssyncset.done $0x0  }
0x52: {  	[sflag:s12] =	ssyncadd.s32 $0xFFFFD800  }
0x53: {  	[spmem:s3] =	stream.indirect.scatter.add.f32 [tilespmem:s15], [sflag:$0x1], $0x80, s16, s14, $0xb8;
	[tilespmem:$0x16980] =	vst v63  }
0x54: {  	_ =	swait.ge [sflag:s12], $0x2800  }
0x55: {  	s17 =	sadd.s32 $0x1, s17;
	[sflag:s12] =	ssyncset.done $0x0  }
0x56: {  	p0 =	sne.s32 s17, s8;
	[sflag:s12] =	ssyncadd.s32 $0xFFFFD800  }
.Ltmp1:
0x57: {  	[bflag:$0x0] =	sbarrier.arrive $0xFFFF;
	(pc) =	sbr.rel @p0 .LBB2_1-.Ltmp1, $4  }
0x58: {  	[hbm:s7], [sflag:s6] =	dma.local [spmem:s11], $0x2800  }
0x59: {  	_ =	swait.ge [sflag:s12], $0x2800  }
0x5a: {  	[sflag:s12] =	ssyncset.done $0x0  }
0x5b: {  	[sflag:s12] =	ssyncadd.s32 $0xFFFFD800  }
0x5c: {  	_ =	sfence.sel $0x180000  }
0x5d: {  	[bflag:$0x0] =	sbarrier.arrive $0xFFFF  }
0x5e: {  	p0 =	sne.s32 s0, $0x0;
	_ =	strace $0x9000004A  }
0x5f: {  	s0 =	sadd.s32 @!p0 $0x100000, s1;
	[bflag:$0x2] =	sbarrier.arrive $0xFFFF  }
0x60: {  	[sflag:s0] =	ssyncadd.tile.s32 @!p0 $0x1;
	_ =	shalt  }
.Lfunc_end2:
_tile_overlayer_lowered:
.L_overlay_start_2:
0x61: {  	(tag) =	ssettag $0x2  }
0x62: {  	s0 =	rddreg [dreg:$0x0];
	s2 =	stileid.u32  }
0x63: {  	s1 =	rddreg [dreg:$0x1];
	p0 =	sne.s32 s2, $0x0  }
0x64: {  	s3 =	rddreg [dreg:$0x2];
	[bflag:$0x3] =	sbarrier.arrive $0xFFFF;
	s2 =	simm.s32 @!p0 $0x1C01  }
0x65: {  	[timem:s3], [sflag:s2] =	dma.local @!p0 [hbm:s0], s1  }
0x66: {  	s0 =	simm.s32 @!p0 $0x1  }
0x67: {  	_ =	swait.ge @!p0 [sflag:s0], s1  }
0x68: {  	s1 =	ssub.s32 @!p0 $0x0, s1;
	[sflag:s0] =	ssyncset.done @!p0 $0x0  }
0x69: {  	[sflag:s0] =	ssyncadd.s32 @!p0 s1  }
0x6a: {  	[bflag:$0x3] =	sbarrier.arrive $0xFFFF  }
0x6b: {  	_ =	shalt  }

</sc_bundles>
